<compile_context>
chip_gen: v7x
topology: tpu7x:2x2x1
jax: 0.10.2.dev20260603
libtpu: 0.0.44.dev20260713+nightly
codegen_flags: <defaults>
</compile_context>

<pallas_src>
import functools

import jax
import jax.numpy as jnp
from jax import lax
from jax.experimental import pallas as pl
from jax.experimental.pallas import tpu as pltpu
from jax.experimental.pallas import tpu_sc as plsc

NC = 2
NS = 16
NW = NC * NS
L = 16

ROWS = 128
COLS = 32768
SC_ROWS = 32
TC_ROWS = ROWS - SC_ROWS
ROWS_PER_W = SC_ROWS // NW
VECS_PER_ROW = COLS // L
TC_BR = 8
TC_BLOCKS = TC_ROWS // TC_BR
BIG = 2147483647

_mesh = plsc.VectorSubcoreMesh(core_axis_name="c", subcore_axis_name="s")


@functools.partial(
    pl.kernel,
    out_type=(
        jax.ShapeDtypeStruct((NW, L), jnp.float32),
        jax.ShapeDtypeStruct((NW, L), jnp.int32),
    ),
    mesh=_mesh,
    scratch_types=[
        pltpu.VMEM((2, COLS), jnp.float32),
        pltpu.VMEM((L,), jnp.float32),
        pltpu.VMEM((L,), jnp.int32),
        pltpu.SemaphoreType.DMA,
        pltpu.SemaphoreType.DMA,
    ],
)
def _sc_scan(x_hbm, vals_hbm, idxs_hbm, buf, mv_v, mi_v, sem0, sem1):
    cid = lax.axis_index("c")
    sid = lax.axis_index("s")
    wid = sid * NC + cid
    row0 = wid * ROWS_PER_W

    sems = (sem0, sem1)
    copies = [None] * ROWS_PER_W
    copies[0] = pltpu.async_copy(x_hbm.at[row0], buf.at[0], sems[0])

    VPC = 8

    lane = lax.broadcasted_iota(jnp.int32, (L,), 0)
    ms = [jnp.full((L,), -jnp.inf, dtype=jnp.float32) for _ in range(VPC)]
    mis = [jnp.zeros((L,), dtype=jnp.int32) for _ in range(VPC)]

    def scan_row(r, carry):
        b = r % 2
        vbase = (row0 + r) * VECS_PER_ROW

        def body(i, c):
            ms, mis = list(c[0]), list(c[1])
            bb = jnp.broadcast_to(vbase + i, (L,))
            for k in range(VPC):
                v = buf[b, pl.ds((i + k) * L, L)]
                upd = v > ms[k]
                ms[k] = jnp.where(upd, v, ms[k])
                mis[k] = jnp.where(upd, bb, mis[k])
            return tuple(ms), tuple(mis)

        copies[r].wait()
        if r + 1 < ROWS_PER_W:
            copies[r + 1] = pltpu.async_copy(
                x_hbm.at[row0 + r + 1], buf.at[(r + 1) % 2], sems[(r + 1) % 2]
            )
        return plsc.parallel_loop(0, VECS_PER_ROW, step=VPC, carry=carry)(body)

    carry = (tuple(ms), tuple(mis))
    for r in range(ROWS_PER_W):
        carry = scan_row(r, carry)
    ms, mis = list(carry[0]), list(carry[1])

    flat = [mis[k] * L + (lane + k * L) for k in range(VPC)]
    m, mi = ms[0], flat[0]
    for k in range(1, VPC):
        upd = jnp.logical_or(
            ms[k] > m, jnp.logical_and(ms[k] == m, flat[k] < mi)
        )
        m = jnp.where(upd, ms[k], m)
        mi = jnp.where(upd, flat[k], mi)

    mv_v[...] = m
    mi_v[...] = mi
    pltpu.sync_copy(mv_v, vals_hbm.at[wid])
    pltpu.sync_copy(mi_v, idxs_hbm.at[wid])


TC_TILES = COLS // 128


def _tc_scan_body(x_hbm, val_ref, idx_ref, buf, sem0, sem1, sem2, sem3):
    sems = (sem0, sem1, sem2, sem3)
    ch_rows = TC_ROWS // len(sems)
    blks_per_ch = ch_rows // TC_BR

    copies = [
        pltpu.async_copy(
            x_hbm.at[pl.ds(SC_ROWS + c * ch_rows, ch_rows), :],
            buf.at[pl.ds(c * ch_rows, ch_rows), :],
            sems[c],
        )
        for c in range(len(sems))
    ]

    acc = jnp.full((TC_BR, 128), -jnp.inf, jnp.float32)
    bid = jnp.zeros((TC_BR, 128), jnp.int32)

    for blk in range(TC_BLOCKS):
        if blk % blks_per_ch == 0:
            copies[blk // blks_per_ch].wait()
        v3 = buf[pl.ds(blk * TC_BR, TC_BR), :].reshape(TC_BR, TC_TILES, 128)
        bm = jnp.max(v3, axis=1)
        upd = bm > acc
        acc = jnp.where(upd, bm, acc)
        bid = jnp.where(upd, jnp.broadcast_to(blk, (TC_BR, 128)), bid)

    best = jnp.max(acc)
    dr = lax.broadcasted_iota(jnp.int32, (TC_BR, 128), 0)
    rows = SC_ROWS + bid * TC_BR + dr
    r_star = jnp.min(jnp.where(acc == best, rows, BIG))

    rowl = r_star - SC_ROWS
    v3b = buf[pl.ds(rowl, 1), :].reshape(1, TC_TILES, 128)
    dt3 = lax.broadcasted_iota(jnp.int32, v3b.shape, 1)
    dc3 = lax.broadcasted_iota(jnp.int32, v3b.shape, 2)
    col = jnp.min(jnp.where(v3b == best, dt3 * 128 + dc3, BIG))
    bi = r_star * COLS + col
    val_ref[0, 0] = best
    idx_ref[0, 0] = bi


def _merge_body(sc_vals_hbm, sc_idxs_hbm, tc_val_ref, tc_idx_ref, out_ref,
                vals_v, idxs_v, sem0, sem1):
    cv = pltpu.async_copy(sc_vals_hbm, vals_v, sem0)
    ci = pltpu.async_copy(sc_idxs_hbm, idxs_v, sem1)
    cv.wait()
    ci.wait()
    m = vals_v[...]
    best = jnp.max(m)
    bi = jnp.min(jnp.where(m == best, idxs_v[...], BIG))
    tv = tc_val_ref[0, 0]
    ti = tc_idx_ref[0, 0]
    upd = jnp.logical_or(tv > best, jnp.logical_and(tv == best, ti < bi))
    out_ref[0, 0] = jnp.where(upd, ti, bi)


def kernel(input):
    sc_vals, sc_idxs = _sc_scan(input)
    tc_val, tc_idx = pl.pallas_call(
        _tc_scan_body,
        in_specs=[pl.BlockSpec(memory_space=pl.ANY)],
        out_specs=(
            pl.BlockSpec(memory_space=pltpu.SMEM),
            pl.BlockSpec(memory_space=pltpu.SMEM),
        ),
        out_shape=(
            jax.ShapeDtypeStruct((1, 1), jnp.float32),
            jax.ShapeDtypeStruct((1, 1), jnp.int32),
        ),
        scratch_shapes=[
            pltpu.VMEM((TC_ROWS, COLS), jnp.float32),
            pltpu.SemaphoreType.DMA,
            pltpu.SemaphoreType.DMA,
            pltpu.SemaphoreType.DMA,
            pltpu.SemaphoreType.DMA,
        ],
    )(input)
    out = pl.pallas_call(
        _merge_body,
        in_specs=[
            pl.BlockSpec(memory_space=pl.ANY),
            pl.BlockSpec(memory_space=pl.ANY),
            pl.BlockSpec(memory_space=pltpu.SMEM),
            pl.BlockSpec(memory_space=pltpu.SMEM),
        ],
        out_specs=pl.BlockSpec(memory_space=pltpu.SMEM),
        out_shape=jax.ShapeDtypeStruct((1, 1), jnp.int32),
        scratch_shapes=[
            pltpu.VMEM((NW, L), jnp.float32),
            pltpu.VMEM((NW, L), jnp.int32),
            pltpu.SemaphoreType.DMA,
            pltpu.SemaphoreType.DMA,
        ],
    )(sc_vals, sc_idxs, tc_val, tc_idx)
    return out[0, 0].astype(jnp.int64)

# --- scband reference (transcript-rebuilt; emitter-appended) ---
"""Pipeline reference for scband-arg-max-81724637708438 (READ-ONLY COPY).

The authoritative reference and input builder live on the scoring server;
editing this copy changes nothing except your own understanding.
"""

import jax, jax.numpy as jnp
import numpy as np

def setup_inputs(seed: int = 0) -> dict:
    key = jax.random.key(seed)
    input = jax.random.normal(key, (128, 32768), dtype=jnp.float32)
    return {"input": input}

def reference(input):
    # torch Tensor.argmax() with no dim flattens the tensor and returns the
    # index of the global maximum as a 0-d int64 tensor.
    return jnp.argmax(input).astype(jnp.int64)

if __name__ == "__main__":
    import jax
    _d = setup_inputs()
    print(jax.jit(kernel)(*tuple(_d.values())))

</pallas_src>

<mosaic_0001>
#map = affine_map<(d0, d1) -> (0, 0)>
module attributes {stable_mosaic.version = 14 : i64} {
  func.func @_sc_scan(%arg0: i32, %arg1: i32, %arg2: memref<128x32768xf32, #tpu.memory_space<hbm>>, %arg3: memref<32x16xf32, #tpu.memory_space<hbm>>, %arg4: memref<32x16xi32, #tpu.memory_space<hbm>>, %arg5: memref<2x32768xf32, #tpu.memory_space<vmem>>, %arg6: memref<16xf32, #tpu.memory_space<vmem>>, %arg7: memref<16xi32, #tpu.memory_space<vmem>>, %arg8: memref<!tpu.dma_semaphore, #tpu.memory_space<semaphore_mem>>, %arg9: memref<!tpu.dma_semaphore, #tpu.memory_space<semaphore_mem>>) attributes {dimension_semantics = [#tpu.dimension_semantics<core_parallel>, #tpu.dimension_semantics<subcore_parallel>], iteration_bounds = array<i64: 2, 16>, scalar_prefetch = 0 : i64, scratch_operands = 5 : i64, tpu.core_type = #tpu.core_type<sc_vector_subcore>, window_params = [{transform_indices = #map}, {transform_indices = #map}, {transform_indices = #map}]} {
    %mul3A = arith.constant 2 : i32
    %mul3A_0 = arith.muli %arg1, %mul3A : i32
    %add3A = arith.addi %mul3A_0, %arg0 : i32
    %mul3A_1 = arith.constant 1 : i32
    %mul3A_2 = arith.muli %add3A, %mul3A_1 : i32
    %dma_start3A = arith.constant 0 : i32
    %dma_start3A_3 = arith.constant 0 : i32
    %dma_start3A_4 = tpu.memref_slice %arg5[%dma_start3A, %dma_start3A_3] : memref<2x32768xf32, #tpu.memory_space<vmem>> -> memref<1x32768xf32, #tpu.memory_space<vmem>>
    %dma_start3A_5 = tpu.memref_squeeze %dma_start3A_4 : memref<1x32768xf32, #tpu.memory_space<vmem>> -> memref<32768xf32, #tpu.memory_space<vmem>>
    %dma_start3A_6 = arith.constant 0 : i32
    %dma_start3A_7 = tpu.memref_slice %arg2[%mul3A_2, %dma_start3A_6] : memref<128x32768xf32, #tpu.memory_space<hbm>> -> memref<1x32768xf32, #tpu.memory_space<hbm>>
    %dma_start3A_8 = tpu.memref_squeeze %dma_start3A_7 : memref<1x32768xf32, #tpu.memory_space<hbm>> -> memref<32768xf32, #tpu.memory_space<hbm>>
    %dma_start3A_9 = arith.constant 0 : i32
    %dma_start3A_10 = tpu.memref_slice %arg5[%dma_start3A, %dma_start3A_9] : memref<2x32768xf32, #tpu.memory_space<vmem>> -> memref<1x32768xf32, #tpu.memory_space<vmem>>
    %dma_start3A_11 = tpu.memref_squeeze %dma_start3A_10 : memref<1x32768xf32, #tpu.memory_space<vmem>> -> memref<32768xf32, #tpu.memory_space<vmem>>
    %dma_start3A_12 = arith.constant 0 : i32
    %dma_start3A_13 = tpu.memref_slice %arg2[%mul3A_2, %dma_start3A_12] : memref<128x32768xf32, #tpu.memory_space<hbm>> -> memref<1x32768xf32, #tpu.memory_space<hbm>>
    %dma_start3A_14 = tpu.memref_squeeze %dma_start3A_13 : memref<1x32768xf32, #tpu.memory_space<hbm>> -> memref<32768xf32, #tpu.memory_space<hbm>>
    tpu.enqueue_dma source(%dma_start3A_14 : memref<32768xf32, #tpu.memory_space<hbm>>) target(%dma_start3A_11 : memref<32768xf32, #tpu.memory_space<vmem>>) target_semaphore(%arg8 : memref<!tpu.dma_semaphore, #tpu.memory_space<semaphore_mem>>)
    %iota3A = tpu.iota {dimensions = array<i32: 0>} : vector<16xi32>
    %broadcast_in_dim3A = arith.constant 0xFF800000 : f32
    %broadcast_in_dim3A_15 = vector.broadcast %broadcast_in_dim3A : f32 to vector<16xf32>
    %broadcast_in_dim3A_16 = arith.constant 0xFF800000 : f32
    %broadcast_in_dim3A_17 = vector.broadcast %broadcast_in_dim3A_16 : f32 to vector<16xf32>
    %broadcast_in_dim3A_18 = arith.constant 0xFF800000 : f32
    %broadcast_in_dim3A_19 = vector.broadcast %broadcast_in_dim3A_18 : f32 to vector<16xf32>
    %broadcast_in_dim3A_20 = arith.constant 0xFF800000 : f32
    %broadcast_in_dim3A_21 = vector.broadcast %broadcast_in_dim3A_20 : f32 to vector<16xf32>
    %broadcast_in_dim3A_22 = arith.constant 0xFF800000 : f32
    %broadcast_in_dim3A_23 = vector.broadcast %broadcast_in_dim3A_22 : f32 to vector<16xf32>
    %broadcast_in_dim3A_24 = arith.constant 0xFF800000 : f32
    %broadcast_in_dim3A_25 = vector.broadcast %broadcast_in_dim3A_24 : f32 to vector<16xf32>
    %broadcast_in_dim3A_26 = arith.constant 0xFF800000 : f32
    %broadcast_in_dim3A_27 = vector.broadcast %broadcast_in_dim3A_26 : f32 to vector<16xf32>
    %broadcast_in_dim3A_28 = arith.constant 0xFF800000 : f32
    %broadcast_in_dim3A_29 = vector.broadcast %broadcast_in_dim3A_28 : f32 to vector<16xf32>
    %broadcast_in_dim3A_30 = arith.constant 0 : i32
    %broadcast_in_dim3A_31 = vector.broadcast %broadcast_in_dim3A_30 : i32 to vector<16xi32>
    %broadcast_in_dim3A_32 = arith.constant 0 : i32
    %broadcast_in_dim3A_33 = vector.broadcast %broadcast_in_dim3A_32 : i32 to vector<16xi32>
    %broadcast_in_dim3A_34 = arith.constant 0 : i32
    %broadcast_in_dim3A_35 = vector.broadcast %broadcast_in_dim3A_34 : i32 to vector<16xi32>
    %broadcast_in_dim3A_36 = arith.constant 0 : i32
    %broadcast_in_dim3A_37 = vector.broadcast %broadcast_in_dim3A_36 : i32 to vector<16xi32>
    %broadcast_in_dim3A_38 = arith.constant 0 : i32
    %broadcast_in_dim3A_39 = vector.broadcast %broadcast_in_dim3A_38 : i32 to vector<16xi32>
    %broadcast_in_dim3A_40 = arith.constant 0 : i32
    %broadcast_in_dim3A_41 = vector.broadcast %broadcast_in_dim3A_40 : i32 to vector<16xi32>
    %broadcast_in_dim3A_42 = arith.constant 0 : i32
    %broadcast_in_dim3A_43 = vector.broadcast %broadcast_in_dim3A_42 : i32 to vector<16xi32>
    %broadcast_in_dim3A_44 = arith.constant 0 : i32
    %broadcast_in_dim3A_45 = vector.broadcast %broadcast_in_dim3A_44 : i32 to vector<16xi32>
    %add3A_46 = arith.constant 0 : i32
    %add3A_47 = arith.addi %mul3A_2, %add3A_46 : i32
    %mul3A_48 = arith.constant 2048 : i32
    %mul3A_49 = arith.muli %add3A_47, %mul3A_48 : i32
    %dma_wait3A = arith.constant 0 : i32
    %dma_wait3A_50 = arith.constant 0 : i32
    %dma_wait3A_51 = tpu.memref_slice %arg5[%dma_wait3A, %dma_wait3A_50] : memref<2x32768xf32, #tpu.memory_space<vmem>> -> memref<1x32768xf32, #tpu.memory_space<vmem>>
    %dma_wait3A_52 = tpu.memref_squeeze %dma_wait3A_51 : memref<1x32768xf32, #tpu.memory_space<vmem>> -> memref<32768xf32, #tpu.memory_space<vmem>>
    %dma_wait3A_53 = arith.constant 0 : i32
    %dma_wait3A_54 = tpu.memref_slice %arg2[%mul3A_2, %dma_wait3A_53] : memref<128x32768xf32, #tpu.memory_space<hbm>> -> memref<1x32768xf32, #tpu.memory_space<hbm>>
    %dma_wait3A_55 = tpu.memref_squeeze %dma_wait3A_54 : memref<1x32768xf32, #tpu.memory_space<hbm>> -> memref<32768xf32, #tpu.memory_space<hbm>>
    %dma_wait3A_56 = arith.constant 0 : i32
    %dma_wait3A_57 = tpu.memref_slice %arg5[%dma_wait3A, %dma_wait3A_56] : memref<2x32768xf32, #tpu.memory_space<vmem>> -> memref<1x32768xf32, #tpu.memory_space<vmem>>
    %dma_wait3A_58 = tpu.memref_squeeze %dma_wait3A_57 : memref<1x32768xf32, #tpu.memory_space<vmem>> -> memref<32768xf32, #tpu.memory_space<vmem>>
    %dma_wait3A_59 = arith.constant 0 : i32
    %dma_wait3A_60 = tpu.memref_slice %arg2[%mul3A_2, %dma_wait3A_59] : memref<128x32768xf32, #tpu.memory_space<hbm>> -> memref<1x32768xf32, #tpu.memory_space<hbm>>
    %dma_wait3A_61 = tpu.memref_squeeze %dma_wait3A_60 : memref<1x32768xf32, #tpu.memory_space<hbm>> -> memref<32768xf32, #tpu.memory_space<hbm>>
    tpu.wait_dma2 semaphore(%arg8 : memref<!tpu.dma_semaphore, #tpu.memory_space<semaphore_mem>>) src(%dma_wait3A_61 : memref<32768xf32, #tpu.memory_space<hbm>>) dst(%dma_wait3A_58 : memref<32768xf32, #tpu.memory_space<vmem>>)
    %parallel_loop3A = arith.constant 0 : i32
    %parallel_loop3A_62 = arith.constant 2048 : i32
    %parallel_loop3A_63 = arith.constant 8 : i32
    %parallel_loop3A_64:16 = scf.for %parallel_loop3A_171 = %parallel_loop3A to %parallel_loop3A_62 step %parallel_loop3A_63 iter_args(%parallel_loop3A_172 = %broadcast_in_dim3A_15, %parallel_loop3A_173 = %broadcast_in_dim3A_17, %parallel_loop3A_174 = %broadcast_in_dim3A_19, %parallel_loop3A_175 = %broadcast_in_dim3A_21, %parallel_loop3A_176 = %broadcast_in_dim3A_23, %parallel_loop3A_177 = %broadcast_in_dim3A_25, %parallel_loop3A_178 = %broadcast_in_dim3A_27, %parallel_loop3A_179 = %broadcast_in_dim3A_29, %parallel_loop3A_180 = %broadcast_in_dim3A_31, %parallel_loop3A_181 = %broadcast_in_dim3A_33, %parallel_loop3A_182 = %broadcast_in_dim3A_35, %parallel_loop3A_183 = %broadcast_in_dim3A_37, %parallel_loop3A_184 = %broadcast_in_dim3A_39, %parallel_loop3A_185 = %broadcast_in_dim3A_41, %parallel_loop3A_186 = %broadcast_in_dim3A_43, %parallel_loop3A_187 = %broadcast_in_dim3A_45) -> (vector<16xf32>, vector<16xf32>, vector<16xf32>, vector<16xf32>, vector<16xf32>, vector<16xf32>, vector<16xf32>, vector<16xf32>, vector<16xi32>, vector<16xi32>, vector<16xi32>, vector<16xi32>, vector<16xi32>, vector<16xi32>, vector<16xi32>, vector<16xi32>)  : i32 {
      %parallel_loop3A_188 = arith.addi %mul3A_49, %parallel_loop3A_171 : i32
      %parallel_loop3A_189 = vector.broadcast %parallel_loop3A_188 : i32 to vector<16xi32>
      %parallel_loop3A_190 = arith.constant 0 : i32
      %parallel_loop3A_191 = arith.addi %parallel_loop3A_171, %parallel_loop3A_190 : i32
      %parallel_loop3A_192 = arith.constant 16 : i32
      %parallel_loop3A_193 = arith.muli %parallel_loop3A_191, %parallel_loop3A_192 : i32
      %parallel_loop3A_194 = arith.constant 0 : i32
      %parallel_loop3A_195 = arith.index_cast %parallel_loop3A_194 : i32 to index
      %parallel_loop3A_196 = arith.index_cast %parallel_loop3A_193 : i32 to index
      %parallel_loop3A_197 = tpu.vector_load %arg5[%parallel_loop3A_195, %parallel_loop3A_196] {strides = array<i32>} : memref<2x32768xf32, #tpu.memory_space<vmem>>, vector<1x16xf32>,
      %parallel_loop3A_198 = vector.shape_cast %parallel_loop3A_197 : vector<1x16xf32> to vector<16xf32>
      %parallel_loop3A_199 = arith.cmpf ogt, %parallel_loop3A_198, %parallel_loop3A_172 : vector<16xf32>
      %parallel_loop3A_200 = arith.select %parallel_loop3A_199, %parallel_loop3A_198, %parallel_loop3A_172 : vector<16xi1>, vector<16xf32>
      %parallel_loop3A_201 = arith.select %parallel_loop3A_199, %parallel_loop3A_189, %parallel_loop3A_180 : vector<16xi1>, vector<16xi32>
      %parallel_loop3A_202 = arith.constant 1 : i32
      %parallel_loop3A_203 = arith.addi %parallel_loop3A_171, %parallel_loop3A_202 : i32
      %parallel_loop3A_204 = arith.constant 16 : i32
      %parallel_loop3A_205 = arith.muli %parallel_loop3A_203, %parallel_loop3A_204 : i32
      %parallel_loop3A_206 = arith.constant 0 : i32
      %parallel_loop3A_207 = arith.index_cast %parallel_loop3A_206 : i32 to index
      %parallel_loop3A_208 = arith.index_cast %parallel_loop3A_205 : i32 to index
      %parallel_loop3A_209 = tpu.vector_load %arg5[%parallel_loop3A_207, %parallel_loop3A_208] {strides = array<i32>} : memref<2x32768xf32, #tpu.memory_space<vmem>>, vector<1x16xf32>,
      %parallel_loop3A_210 = vector.shape_cast %parallel_loop3A_209 : vector<1x16xf32> to vector<16xf32>
      %parallel_loop3A_211 = arith.cmpf ogt, %parallel_loop3A_210, %parallel_loop3A_173 : vector<16xf32>
      %parallel_loop3A_212 = arith.select %parallel_loop3A_211, %parallel_loop3A_210, %parallel_loop3A_173 : vector<16xi1>, vector<16xf32>
      %parallel_loop3A_213 = arith.select %parallel_loop3A_211, %parallel_loop3A_189, %parallel_loop3A_181 : vector<16xi1>, vector<16xi32>
      %parallel_loop3A_214 = arith.constant 2 : i32
      %parallel_loop3A_215 = arith.addi %parallel_loop3A_171, %parallel_loop3A_214 : i32
      %parallel_loop3A_216 = arith.constant 16 : i32
      %parallel_loop3A_217 = arith.muli %parallel_loop3A_215, %parallel_loop3A_216 : i32
      %parallel_loop3A_218 = arith.constant 0 : i32
      %parallel_loop3A_219 = arith.index_cast %parallel_loop3A_218 : i32 to index
      %parallel_loop3A_220 = arith.index_cast %parallel_loop3A_217 : i32 to index
      %parallel_loop3A_221 = tpu.vector_load %arg5[%parallel_loop3A_219, %parallel_loop3A_220] {strides = array<i32>} : memref<2x32768xf32, #tpu.memory_space<vmem>>, vector<1x16xf32>,
      %parallel_loop3A_222 = vector.shape_cast %parallel_loop3A_221 : vector<1x16xf32> to vector<16xf32>
      %parallel_loop3A_223 = arith.cmpf ogt, %parallel_loop3A_222, %parallel_loop3A_174 : vector<16xf32>
      %parallel_loop3A_224 = arith.select %parallel_loop3A_223, %parallel_loop3A_222, %parallel_loop3A_174 : vector<16xi1>, vector<16xf32>
      %parallel_loop3A_225 = arith.select %parallel_loop3A_223, %parallel_loop3A_189, %parallel_loop3A_182 : vector<16xi1>, vector<16xi32>
      %parallel_loop3A_226 = arith.constant 3 : i32
      %parallel_loop3A_227 = arith.addi %parallel_loop3A_171, %parallel_loop3A_226 : i32
      %parallel_loop3A_228 = arith.constant 16 : i32
      %parallel_loop3A_229 = arith.muli %parallel_loop3A_227, %parallel_loop3A_228 : i32
      %parallel_loop3A_230 = arith.constant 0 : i32
      %parallel_loop3A_231 = arith.index_cast %parallel_loop3A_230 : i32 to index
      %parallel_loop3A_232 = arith.index_cast %parallel_loop3A_229 : i32 to index
      %parallel_loop3A_233 = tpu.vector_load %arg5[%parallel_loop3A_231, %parallel_loop3A_232] {strides = array<i32>} : memref<2x32768xf32, #tpu.memory_space<vmem>>, vector<1x16xf32>,
      %parallel_loop3A_234 = vector.shape_cast %parallel_loop3A_233 : vector<1x16xf32> to vector<16xf32>
      %parallel_loop3A_235 = arith.cmpf ogt, %parallel_loop3A_234, %parallel_loop3A_175 : vector<16xf32>
      %parallel_loop3A_236 = arith.select %parallel_loop3A_235, %parallel_loop3A_234, %parallel_loop3A_175 : vector<16xi1>, vector<16xf32>
      %parallel_loop3A_237 = arith.select %parallel_loop3A_235, %parallel_loop3A_189, %parallel_loop3A_183 : vector<16xi1>, vector<16xi32>
      %parallel_loop3A_238 = arith.constant 4 : i32
      %parallel_loop3A_239 = arith.addi %parallel_loop3A_171, %parallel_loop3A_238 : i32
      %parallel_loop3A_240 = arith.constant 16 : i32
      %parallel_loop3A_241 = arith.muli %parallel_loop3A_239, %parallel_loop3A_240 : i32
      %parallel_loop3A_242 = arith.constant 0 : i32
      %parallel_loop3A_243 = arith.index_cast %parallel_loop3A_242 : i32 to index
      %parallel_loop3A_244 = arith.index_cast %parallel_loop3A_241 : i32 to index
      %parallel_loop3A_245 = tpu.vector_load %arg5[%parallel_loop3A_243, %parallel_loop3A_244] {strides = array<i32>} : memref<2x32768xf32, #tpu.memory_space<vmem>>, vector<1x16xf32>,
      %parallel_loop3A_246 = vector.shape_cast %parallel_loop3A_245 : vector<1x16xf32> to vector<16xf32>
      %parallel_loop3A_247 = arith.cmpf ogt, %parallel_loop3A_246, %parallel_loop3A_176 : vector<16xf32>
      %parallel_loop3A_248 = arith.select %parallel_loop3A_247, %parallel_loop3A_246, %parallel_loop3A_176 : vector<16xi1>, vector<16xf32>
      %parallel_loop3A_249 = arith.select %parallel_loop3A_247, %parallel_loop3A_189, %parallel_loop3A_184 : vector<16xi1>, vector<16xi32>
      %parallel_loop3A_250 = arith.constant 5 : i32
      %parallel_loop3A_251 = arith.addi %parallel_loop3A_171, %parallel_loop3A_250 : i32
      %parallel_loop3A_252 = arith.constant 16 : i32
      %parallel_loop3A_253 = arith.muli %parallel_loop3A_251, %parallel_loop3A_252 : i32
      %parallel_loop3A_254 = arith.constant 0 : i32
      %parallel_loop3A_255 = arith.index_cast %parallel_loop3A_254 : i32 to index
      %parallel_loop3A_256 = arith.index_cast %parallel_loop3A_253 : i32 to index
      %parallel_loop3A_257 = tpu.vector_load %arg5[%parallel_loop3A_255, %parallel_loop3A_256] {strides = array<i32>} : memref<2x32768xf32, #tpu.memory_space<vmem>>, vector<1x16xf32>,
      %parallel_loop3A_258 = vector.shape_cast %parallel_loop3A_257 : vector<1x16xf32> to vector<16xf32>
      %parallel_loop3A_259 = arith.cmpf ogt, %parallel_loop3A_258, %parallel_loop3A_177 : vector<16xf32>
      %parallel_loop3A_260 = arith.select %parallel_loop3A_259, %parallel_loop3A_258, %parallel_loop3A_177 : vector<16xi1>, vector<16xf32>
      %parallel_loop3A_261 = arith.select %parallel_loop3A_259, %parallel_loop3A_189, %parallel_loop3A_185 : vector<16xi1>, vector<16xi32>
      %parallel_loop3A_262 = arith.constant 6 : i32
      %parallel_loop3A_263 = arith.addi %parallel_loop3A_171, %parallel_loop3A_262 : i32
      %parallel_loop3A_264 = arith.constant 16 : i32
      %parallel_loop3A_265 = arith.muli %parallel_loop3A_263, %parallel_loop3A_264 : i32
      %parallel_loop3A_266 = arith.constant 0 : i32
      %parallel_loop3A_267 = arith.index_cast %parallel_loop3A_266 : i32 to index
      %parallel_loop3A_268 = arith.index_cast %parallel_loop3A_265 : i32 to index
      %parallel_loop3A_269 = tpu.vector_load %arg5[%parallel_loop3A_267, %parallel_loop3A_268] {strides = array<i32>} : memref<2x32768xf32, #tpu.memory_space<vmem>>, vector<1x16xf32>,
      %parallel_loop3A_270 = vector.shape_cast %parallel_loop3A_269 : vector<1x16xf32> to vector<16xf32>
      %parallel_loop3A_271 = arith.cmpf ogt, %parallel_loop3A_270, %parallel_loop3A_178 : vector<16xf32>
      %parallel_loop3A_272 = arith.select %parallel_loop3A_271, %parallel_loop3A_270, %parallel_loop3A_178 : vector<16xi1>, vector<16xf32>
      %parallel_loop3A_273 = arith.select %parallel_loop3A_271, %parallel_loop3A_189, %parallel_loop3A_186 : vector<16xi1>, vector<16xi32>
      %parallel_loop3A_274 = arith.constant 7 : i32
      %parallel_loop3A_275 = arith.addi %parallel_loop3A_171, %parallel_loop3A_274 : i32
      %parallel_loop3A_276 = arith.constant 16 : i32
      %parallel_loop3A_277 = arith.muli %parallel_loop3A_275, %parallel_loop3A_276 : i32
      %parallel_loop3A_278 = arith.constant 0 : i32
      %parallel_loop3A_279 = arith.index_cast %parallel_loop3A_278 : i32 to index
      %parallel_loop3A_280 = arith.index_cast %parallel_loop3A_277 : i32 to index
      %parallel_loop3A_281 = tpu.vector_load %arg5[%parallel_loop3A_279, %parallel_loop3A_280] {strides = array<i32>} : memref<2x32768xf32, #tpu.memory_space<vmem>>, vector<1x16xf32>,
      %parallel_loop3A_282 = vector.shape_cast %parallel_loop3A_281 : vector<1x16xf32> to vector<16xf32>
      %parallel_loop3A_283 = arith.cmpf ogt, %parallel_loop3A_282, %parallel_loop3A_179 : vector<16xf32>
      %parallel_loop3A_284 = arith.select %parallel_loop3A_283, %parallel_loop3A_282, %parallel_loop3A_179 : vector<16xi1>, vector<16xf32>
      %parallel_loop3A_285 = arith.select %parallel_loop3A_283, %parallel_loop3A_189, %parallel_loop3A_187 : vector<16xi1>, vector<16xi32>
      scf.yield %parallel_loop3A_200, %parallel_loop3A_212, %parallel_loop3A_224, %parallel_loop3A_236, %parallel_loop3A_248, %parallel_loop3A_260, %parallel_loop3A_272, %parallel_loop3A_284, %parallel_loop3A_201, %parallel_loop3A_213, %parallel_loop3A_225, %parallel_loop3A_237, %parallel_loop3A_249, %parallel_loop3A_261, %parallel_loop3A_273, %parallel_loop3A_285 : vector<16xf32>, vector<16xf32>, vector<16xf32>, vector<16xf32>, vector<16xf32>, vector<16xf32>, vector<16xf32>, vector<16xf32>, vector<16xi32>, vector<16xi32>, vector<16xi32>, vector<16xi32>, vector<16xi32>, vector<16xi32>, vector<16xi32>, vector<16xi32>
    } {sc.loop_unroll_factor = 1 : i64, sc.parallel_access}
    %mul3A_65 = arith.constant 16 : i32
    %mul3A_66 = vector.broadcast %mul3A_65 : i32 to vector<16xi32>
    %mul3A_67 = arith.muli %parallel_loop3A_64#8, %mul3A_66 : vector<16xi32>
    %add3A_68 = arith.constant 0 : i32
    %add3A_69 = vector.broadcast %add3A_68 : i32 to vector<16xi32>
    %add3A_70 = arith.addi %iota3A, %add3A_69 : vector<16xi32>
    %add3A_71 = arith.addi %mul3A_67, %add3A_70 : vector<16xi32>
    %mul3A_72 = arith.constant 16 : i32
    %mul3A_73 = vector.broadcast %mul3A_72 : i32 to vector<16xi32>
    %mul3A_74 = arith.muli %parallel_loop3A_64#9, %mul3A_73 : vector<16xi32>
    %add3A_75 = arith.constant 16 : i32
    %add3A_76 = vector.broadcast %add3A_75 : i32 to vector<16xi32>
    %add3A_77 = arith.addi %iota3A, %add3A_76 : vector<16xi32>
    %add3A_78 = arith.addi %mul3A_74, %add3A_77 : vector<16xi32>
    %mul3A_79 = arith.constant 16 : i32
    %mul3A_80 = vector.broadcast %mul3A_79 : i32 to vector<16xi32>
    %mul3A_81 = arith.muli %parallel_loop3A_64#10, %mul3A_80 : vector<16xi32>
    %add3A_82 = arith.constant 32 : i32
    %add3A_83 = vector.broadcast %add3A_82 : i32 to vector<16xi32>
    %add3A_84 = arith.addi %iota3A, %add3A_83 : vector<16xi32>
    %add3A_85 = arith.addi %mul3A_81, %add3A_84 : vector<16xi32>
    %mul3A_86 = arith.constant 16 : i32
    %mul3A_87 = vector.broadcast %mul3A_86 : i32 to vector<16xi32>
    %mul3A_88 = arith.muli %parallel_loop3A_64#11, %mul3A_87 : vector<16xi32>
    %add3A_89 = arith.constant 48 : i32
    %add3A_90 = vector.broadcast %add3A_89 : i32 to vector<16xi32>
    %add3A_91 = arith.addi %iota3A, %add3A_90 : vector<16xi32>
    %add3A_92 = arith.addi %mul3A_88, %add3A_91 : vector<16xi32>
    %mul3A_93 = arith.constant 16 : i32
    %mul3A_94 = vector.broadcast %mul3A_93 : i32 to vector<16xi32>
    %mul3A_95 = arith.muli %parallel_loop3A_64#12, %mul3A_94 : vector<16xi32>
    %add3A_96 = arith.constant 64 : i32
    %add3A_97 = vector.broadcast %add3A_96 : i32 to vector<16xi32>
    %add3A_98 = arith.addi %iota3A, %add3A_97 : vector<16xi32>
    %add3A_99 = arith.addi %mul3A_95, %add3A_98 : vector<16xi32>
    %mul3A_100 = arith.constant 16 : i32
    %mul3A_101 = vector.broadcast %mul3A_100 : i32 to vector<16xi32>
    %mul3A_102 = arith.muli %parallel_loop3A_64#13, %mul3A_101 : vector<16xi32>
    %add3A_103 = arith.constant 80 : i32
    %add3A_104 = vector.broadcast %add3A_103 : i32 to vector<16xi32>
    %add3A_105 = arith.addi %iota3A, %add3A_104 : vector<16xi32>
    %add3A_106 = arith.addi %mul3A_102, %add3A_105 : vector<16xi32>
    %mul3A_107 = arith.constant 16 : i32
    %mul3A_108 = vector.broadcast %mul3A_107 : i32 to vector<16xi32>
    %mul3A_109 = arith.muli %parallel_loop3A_64#14, %mul3A_108 : vector<16xi32>
    %add3A_110 = arith.constant 96 : i32
    %add3A_111 = vector.broadcast %add3A_110 : i32 to vector<16xi32>
    %add3A_112 = arith.addi %iota3A, %add3A_111 : vector<16xi32>
    %add3A_113 = arith.addi %mul3A_109, %add3A_112 : vector<16xi32>
    %mul3A_114 = arith.constant 16 : i32
    %mul3A_115 = vector.broadcast %mul3A_114 : i32 to vector<16xi32>
    %mul3A_116 = arith.muli %parallel_loop3A_64#15, %mul3A_115 : vector<16xi32>
    %add3A_117 = arith.constant 112 : i32
    %add3A_118 = vector.broadcast %add3A_117 : i32 to vector<16xi32>
    %add3A_119 = arith.addi %iota3A, %add3A_118 : vector<16xi32>
    %add3A_120 = arith.addi %mul3A_116, %add3A_119 : vector<16xi32>
    %gt3A = arith.cmpf ogt, %parallel_loop3A_64#1, %parallel_loop3A_64#0 : vector<16xf32>
    %eq3A = arith.cmpf oeq, %parallel_loop3A_64#1, %parallel_loop3A_64#0 : vector<16xf32>
    %lt3A = arith.cmpi slt, %add3A_78, %add3A_71 : vector<16xi32>
    %and3A = arith.andi %eq3A, %lt3A : vector<16xi1>
    %or3A = arith.ori %gt3A, %and3A : vector<16xi1>
    %select_n3A = arith.select %or3A, %parallel_loop3A_64#1, %parallel_loop3A_64#0 : vector<16xi1>, vector<16xf32>
    %select_n3A_121 = arith.select %or3A, %add3A_78, %add3A_71 : vector<16xi1>, vector<16xi32>
    %gt3A_122 = arith.cmpf ogt, %parallel_loop3A_64#2, %select_n3A : vector<16xf32>
    %eq3A_123 = arith.cmpf oeq, %parallel_loop3A_64#2, %select_n3A : vector<16xf32>
    %lt3A_124 = arith.cmpi slt, %add3A_85, %select_n3A_121 : vector<16xi32>
    %and3A_125 = arith.andi %eq3A_123, %lt3A_124 : vector<16xi1>
    %or3A_126 = arith.ori %gt3A_122, %and3A_125 : vector<16xi1>
    %select_n3A_127 = arith.select %or3A_126, %parallel_loop3A_64#2, %select_n3A : vector<16xi1>, vector<16xf32>
    %select_n3A_128 = arith.select %or3A_126, %add3A_85, %select_n3A_121 : vector<16xi1>, vector<16xi32>
    %gt3A_129 = arith.cmpf ogt, %parallel_loop3A_64#3, %select_n3A_127 : vector<16xf32>
    %eq3A_130 = arith.cmpf oeq, %parallel_loop3A_64#3, %select_n3A_127 : vector<16xf32>
    %lt3A_131 = arith.cmpi slt, %add3A_92, %select_n3A_128 : vector<16xi32>
    %and3A_132 = arith.andi %eq3A_130, %lt3A_131 : vector<16xi1>
    %or3A_133 = arith.ori %gt3A_129, %and3A_132 : vector<16xi1>
    %select_n3A_134 = arith.select %or3A_133, %parallel_loop3A_64#3, %select_n3A_127 : vector<16xi1>, vector<16xf32>
    %select_n3A_135 = arith.select %or3A_133, %add3A_92, %select_n3A_128 : vector<16xi1>, vector<16xi32>
    %gt3A_136 = arith.cmpf ogt, %parallel_loop3A_64#4, %select_n3A_134 : vector<16xf32>
    %eq3A_137 = arith.cmpf oeq, %parallel_loop3A_64#4, %select_n3A_134 : vector<16xf32>
    %lt3A_138 = arith.cmpi slt, %add3A_99, %select_n3A_135 : vector<16xi32>
    %and3A_139 = arith.andi %eq3A_137, %lt3A_138 : vector<16xi1>
    %or3A_140 = arith.ori %gt3A_136, %and3A_139 : vector<16xi1>
    %select_n3A_141 = arith.select %or3A_140, %parallel_loop3A_64#4, %select_n3A_134 : vector<16xi1>, vector<16xf32>
    %select_n3A_142 = arith.select %or3A_140, %add3A_99, %select_n3A_135 : vector<16xi1>, vector<16xi32>
    %gt3A_143 = arith.cmpf ogt, %parallel_loop3A_64#5, %select_n3A_141 : vector<16xf32>
    %eq3A_144 = arith.cmpf oeq, %parallel_loop3A_64#5, %select_n3A_141 : vector<16xf32>
    %lt3A_145 = arith.cmpi slt, %add3A_106, %select_n3A_142 : vector<16xi32>
    %and3A_146 = arith.andi %eq3A_144, %lt3A_145 : vector<16xi1>
    %or3A_147 = arith.ori %gt3A_143, %and3A_146 : vector<16xi1>
    %select_n3A_148 = arith.select %or3A_147, %parallel_loop3A_64#5, %select_n3A_141 : vector<16xi1>, vector<16xf32>
    %select_n3A_149 = arith.select %or3A_147, %add3A_106, %select_n3A_142 : vector<16xi1>, vector<16xi32>
    %gt3A_150 = arith.cmpf ogt, %parallel_loop3A_64#6, %select_n3A_148 : vector<16xf32>
    %eq3A_151 = arith.cmpf oeq, %parallel_loop3A_64#6, %select_n3A_148 : vector<16xf32>
    %lt3A_152 = arith.cmpi slt, %add3A_113, %select_n3A_149 : vector<16xi32>
    %and3A_153 = arith.andi %eq3A_151, %lt3A_152 : vector<16xi1>
    %or3A_154 = arith.ori %gt3A_150, %and3A_153 : vector<16xi1>
    %select_n3A_155 = arith.select %or3A_154, %parallel_loop3A_64#6, %select_n3A_148 : vector<16xi1>, vector<16xf32>
    %select_n3A_156 = arith.select %or3A_154, %add3A_113, %select_n3A_149 : vector<16xi1>, vector<16xi32>
    %gt3A_157 = arith.cmpf ogt, %parallel_loop3A_64#7, %select_n3A_155 : vector<16xf32>
    %eq3A_158 = arith.cmpf oeq, %parallel_loop3A_64#7, %select_n3A_155 : vector<16xf32>
    %lt3A_159 = arith.cmpi slt, %add3A_120, %select_n3A_156 : vector<16xi32>
    %and3A_160 = arith.andi %eq3A_158, %lt3A_159 : vector<16xi1>
    %or3A_161 = arith.ori %gt3A_157, %and3A_160 : vector<16xi1>
    %select_n3A_162 = arith.select %or3A_161, %parallel_loop3A_64#7, %select_n3A_155 : vector<16xi1>, vector<16xf32>
    %select_n3A_163 = arith.select %or3A_161, %add3A_120, %select_n3A_156 : vector<16xi1>, vector<16xi32>
    %swap3A = arith.constant 0 : index
    %swap3A_164 = tpu.vector_load %arg6[%swap3A] {strides = array<i32>} : memref<16xf32, #tpu.memory_space<vmem>>, vector<16xf32>,
    %swap3A_165 = vector.shape_cast %swap3A_164 : vector<16xf32> to vector<16xf32>
    %swap3A_166 = vector.shape_cast %select_n3A_162 : vector<16xf32> to vector<16xf32>
    tpu.vector_store %arg6[%swap3A], %swap3A_166 {strides = array<i32>} : memref<16xf32, #tpu.memory_space<vmem>>, vector<16xf32>,
    %swap3A_167 = arith.constant 0 : index
    %swap3A_168 = tpu.vector_load %arg7[%swap3A_167] {strides = array<i32>} : memref<16xi32, #tpu.memory_space<vmem>>, vector<16xi32>,
    %swap3A_169 = vector.shape_cast %swap3A_168 : vector<16xi32> to vector<16xi32>
    %swap3A_170 = vector.shape_cast %select_n3A_163 : vector<16xi32> to vector<16xi32>
    tpu.vector_store %arg7[%swap3A_167], %swap3A_170 {strides = array<i32>} : memref<16xi32, #tpu.memory_space<vmem>>, vector<16xi32>,
    "tpu.region"() ({
      %run_scoped3A = tpu.sem_alloc : memref<!tpu.dma_semaphore, #tpu.memory_space<semaphore_mem>>
      %dma_start3A_171 = arith.constant 0 : i32
      %dma_start3A_172 = tpu.memref_slice %arg3[%add3A, %dma_start3A_171] : memref<32x16xf32, #tpu.memory_space<hbm>> -> memref<1x16xf32, #tpu.memory_space<hbm>>
      %dma_start3A_173 = tpu.memref_squeeze %dma_start3A_172 : memref<1x16xf32, #tpu.memory_space<hbm>> -> memref<16xf32, #tpu.memory_space<hbm>>
      %dma_start3A_174 = arith.constant 0 : i32
      %dma_start3A_175 = tpu.memref_slice %arg3[%add3A, %dma_start3A_174] : memref<32x16xf32, #tpu.memory_space<hbm>> -> memref<1x16xf32, #tpu.memory_space<hbm>>
      %dma_start3A_176 = tpu.memref_squeeze %dma_start3A_175 : memref<1x16xf32, #tpu.memory_space<hbm>> -> memref<16xf32, #tpu.memory_space<hbm>>
      tpu.enqueue_dma source(%arg6 : memref<16xf32, #tpu.memory_space<vmem>>) target(%dma_start3A_176 : memref<16xf32, #tpu.memory_space<hbm>>) target_semaphore(%run_scoped3A : memref<!tpu.dma_semaphore, #tpu.memory_space<semaphore_mem>>)
      %dma_wait3A_177 = arith.constant 0 : i32
      %dma_wait3A_178 = tpu.memref_slice %arg3[%add3A, %dma_wait3A_177] : memref<32x16xf32, #tpu.memory_space<hbm>> -> memref<1x16xf32, #tpu.memory_space<hbm>>
      %dma_wait3A_179 = tpu.memref_squeeze %dma_wait3A_178 : memref<1x16xf32, #tpu.memory_space<hbm>> -> memref<16xf32, #tpu.memory_space<hbm>>
      %dma_wait3A_180 = arith.constant 0 : i32
      %dma_wait3A_181 = tpu.memref_slice %arg3[%add3A, %dma_wait3A_180] : memref<32x16xf32, #tpu.memory_space<hbm>> -> memref<1x16xf32, #tpu.memory_space<hbm>>
      %dma_wait3A_182 = tpu.memref_squeeze %dma_wait3A_181 : memref<1x16xf32, #tpu.memory_space<hbm>> -> memref<16xf32, #tpu.memory_space<hbm>>
      tpu.wait_dma2 semaphore(%run_scoped3A : memref<!tpu.dma_semaphore, #tpu.memory_space<semaphore_mem>>) src(%arg6 : memref<16xf32, #tpu.memory_space<vmem>>) dst(%dma_wait3A_182 : memref<16xf32, #tpu.memory_space<hbm>>)
      tpu.yield
    }) : () -> ()
    "tpu.region"() ({
      %run_scoped3A = tpu.sem_alloc : memref<!tpu.dma_semaphore, #tpu.memory_space<semaphore_mem>>
      %dma_start3A_171 = arith.constant 0 : i32
      %dma_start3A_172 = tpu.memref_slice %arg4[%add3A, %dma_start3A_171] : memref<32x16xi32, #tpu.memory_space<hbm>> -> memref<1x16xi32, #tpu.memory_space<hbm>>
      %dma_start3A_173 = tpu.memref_squeeze %dma_start3A_172 : memref<1x16xi32, #tpu.memory_space<hbm>> -> memref<16xi32, #tpu.memory_space<hbm>>
      %dma_start3A_174 = arith.constant 0 : i32
      %dma_start3A_175 = tpu.memref_slice %arg4[%add3A, %dma_start3A_174] : memref<32x16xi32, #tpu.memory_space<hbm>> -> memref<1x16xi32, #tpu.memory_space<hbm>>
      %dma_start3A_176 = tpu.memref_squeeze %dma_start3A_175 : memref<1x16xi32, #tpu.memory_space<hbm>> -> memref<16xi32, #tpu.memory_space<hbm>>
      tpu.enqueue_dma source(%arg7 : memref<16xi32, #tpu.memory_space<vmem>>) target(%dma_start3A_176 : memref<16xi32, #tpu.memory_space<hbm>>) target_semaphore(%run_scoped3A : memref<!tpu.dma_semaphore, #tpu.memory_space<semaphore_mem>>)
      %dma_wait3A_177 = arith.constant 0 : i32
      %dma_wait3A_178 = tpu.memref_slice %arg4[%add3A, %dma_wait3A_177] : memref<32x16xi32, #tpu.memory_space<hbm>> -> memref<1x16xi32, #tpu.memory_space<hbm>>
      %dma_wait3A_179 = tpu.memref_squeeze %dma_wait3A_178 : memref<1x16xi32, #tpu.memory_space<hbm>> -> memref<16xi32, #tpu.memory_space<hbm>>
      %dma_wait3A_180 = arith.constant 0 : i32
      %dma_wait3A_181 = tpu.memref_slice %arg4[%add3A, %dma_wait3A_180] : memref<32x16xi32, #tpu.memory_space<hbm>> -> memref<1x16xi32, #tpu.memory_space<hbm>>
      %dma_wait3A_182 = tpu.memref_squeeze %dma_wait3A_181 : memref<1x16xi32, #tpu.memory_space<hbm>> -> memref<16xi32, #tpu.memory_space<hbm>>
      tpu.wait_dma2 semaphore(%run_scoped3A : memref<!tpu.dma_semaphore, #tpu.memory_space<semaphore_mem>>) src(%arg7 : memref<16xi32, #tpu.memory_space<vmem>>) dst(%dma_wait3A_182 : memref<16xi32, #tpu.memory_space<hbm>>)
      tpu.yield
    }) : () -> ()
    return
  }
}

module attributes {stable_mosaic.version = 14 : i64} {
  func.func @_tc_scan_body(%arg0: memref<128x32768xf32, #tpu.memory_space<any>>, %arg1: memref<1x1xf32, #tpu.memory_space<smem>>, %arg2: memref<1x1xi32, #tpu.memory_space<smem>>, %arg3: memref<96x32768xf32, #tpu.memory_space<vmem>>, %arg4: memref<!tpu.dma_semaphore, #tpu.memory_space<semaphore_mem>>, %arg5: memref<!tpu.dma_semaphore, #tpu.memory_space<semaphore_mem>>, %arg6: memref<!tpu.dma_semaphore, #tpu.memory_space<semaphore_mem>>, %arg7: memref<!tpu.dma_semaphore, #tpu.memory_space<semaphore_mem>>) attributes {dimension_semantics = [], scalar_prefetch = 0 : i64, scratch_operands = 5 : i64, tpu.core_type = #tpu.core_type<tc>} {
    %dma_start3A = arith.constant 0 : i32
    %dma_start3A_0 = arith.constant 0 : i32
    %dma_start3A_1 = tpu.memref_slice %arg3[%dma_start3A, %dma_start3A_0] : memref<96x32768xf32, #tpu.memory_space<vmem>> -> memref<24x32768xf32, #tpu.memory_space<vmem>>
    %dma_start3A_2 = arith.constant 32 : i32
    %dma_start3A_3 = arith.constant 0 : i32
    %dma_start3A_4 = tpu.memref_slice %arg0[%dma_start3A_2, %dma_start3A_3] : memref<128x32768xf32, #tpu.memory_space<any>> -> memref<24x32768xf32, #tpu.memory_space<any>>
    tpu.enqueue_dma source(%dma_start3A_4 : memref<24x32768xf32, #tpu.memory_space<any>>) target(%dma_start3A_1 : memref<24x32768xf32, #tpu.memory_space<vmem>>) target_semaphore(%arg4 : memref<!tpu.dma_semaphore, #tpu.memory_space<semaphore_mem>>)
    %dma_start3A_5 = arith.constant 24 : i32
    %dma_start3A_6 = arith.constant 0 : i32
    %dma_start3A_7 = tpu.memref_slice %arg3[%dma_start3A_5, %dma_start3A_6] : memref<96x32768xf32, #tpu.memory_space<vmem>> -> memref<24x32768xf32, #tpu.memory_space<vmem>>
    %dma_start3A_8 = arith.constant 56 : i32
    %dma_start3A_9 = arith.constant 0 : i32
    %dma_start3A_10 = tpu.memref_slice %arg0[%dma_start3A_8, %dma_start3A_9] : memref<128x32768xf32, #tpu.memory_space<any>> -> memref<24x32768xf32, #tpu.memory_space<any>>
    tpu.enqueue_dma source(%dma_start3A_10 : memref<24x32768xf32, #tpu.memory_space<any>>) target(%dma_start3A_7 : memref<24x32768xf32, #tpu.memory_space<vmem>>) target_semaphore(%arg5 : memref<!tpu.dma_semaphore, #tpu.memory_space<semaphore_mem>>)
    %dma_start3A_11 = arith.constant 48 : i32
    %dma_start3A_12 = arith.constant 0 : i32
    %dma_start3A_13 = tpu.memref_slice %arg3[%dma_start3A_11, %dma_start3A_12] : memref<96x32768xf32, #tpu.memory_space<vmem>> -> memref<24x32768xf32, #tpu.memory_space<vmem>>
    %dma_start3A_14 = arith.constant 80 : i32
    %dma_start3A_15 = arith.constant 0 : i32
    %dma_start3A_16 = tpu.memref_slice %arg0[%dma_start3A_14, %dma_start3A_15] : memref<128x32768xf32, #tpu.memory_space<any>> -> memref<24x32768xf32, #tpu.memory_space<any>>
    tpu.enqueue_dma source(%dma_start3A_16 : memref<24x32768xf32, #tpu.memory_space<any>>) target(%dma_start3A_13 : memref<24x32768xf32, #tpu.memory_space<vmem>>) target_semaphore(%arg6 : memref<!tpu.dma_semaphore, #tpu.memory_space<semaphore_mem>>)
    %dma_start3A_17 = arith.constant 72 : i32
    %dma_start3A_18 = arith.constant 0 : i32
    %dma_start3A_19 = tpu.memref_slice %arg3[%dma_start3A_17, %dma_start3A_18] : memref<96x32768xf32, #tpu.memory_space<vmem>> -> memref<24x32768xf32, #tpu.memory_space<vmem>>
    %dma_start3A_20 = arith.constant 104 : i32
    %dma_start3A_21 = arith.constant 0 : i32
    %dma_start3A_22 = tpu.memref_slice %arg0[%dma_start3A_20, %dma_start3A_21] : memref<128x32768xf32, #tpu.memory_space<any>> -> memref<24x32768xf32, #tpu.memory_space<any>>
    tpu.enqueue_dma source(%dma_start3A_22 : memref<24x32768xf32, #tpu.memory_space<any>>) target(%dma_start3A_19 : memref<24x32768xf32, #tpu.memory_space<vmem>>) target_semaphore(%arg7 : memref<!tpu.dma_semaphore, #tpu.memory_space<semaphore_mem>>)
    %broadcast_in_dim3A = arith.constant 0xFF800000 : f32
    %broadcast_in_dim3A_23 = vector.broadcast %broadcast_in_dim3A : f32 to vector<8x128xf32>
    %broadcast_in_dim3A_24 = arith.constant 0 : i32
    %broadcast_in_dim3A_25 = vector.broadcast %broadcast_in_dim3A_24 : i32 to vector<8x128xi32>
    %dma_wait3A = arith.constant 0 : i32
    %dma_wait3A_26 = arith.constant 0 : i32
    %dma_wait3A_27 = tpu.memref_slice %arg3[%dma_wait3A, %dma_wait3A_26] : memref<96x32768xf32, #tpu.memory_space<vmem>> -> memref<24x32768xf32, #tpu.memory_space<vmem>>
    %dma_wait3A_28 = arith.constant 32 : i32
    %dma_wait3A_29 = arith.constant 0 : i32
    %dma_wait3A_30 = tpu.memref_slice %arg0[%dma_wait3A_28, %dma_wait3A_29] : memref<128x32768xf32, #tpu.memory_space<any>> -> memref<24x32768xf32, #tpu.memory_space<any>>
    tpu.wait_dma2 semaphore(%arg4 : memref<!tpu.dma_semaphore, #tpu.memory_space<semaphore_mem>>) src(%dma_wait3A_30 : memref<24x32768xf32, #tpu.memory_space<any>>) dst(%dma_wait3A_27 : memref<24x32768xf32, #tpu.memory_space<vmem>>)
    %get3A = arith.constant 0 : index
    %get3A_31 = arith.constant 0 : index
    %get3A_32 = vector.load %arg3[%get3A, %get3A_31] : memref<96x32768xf32, #tpu.memory_space<vmem>>, vector<8x32768xf32>
    %reshape3A = vector.shape_cast %get3A_32 : vector<8x32768xf32> to vector<8x256x128xf32>
    %reduce_max3A = arith.constant dense<0xFF800000> : vector<8x128xf32>
    %reduce_max3A_33 = vector.multi_reduction <maximumf>, %reshape3A, %reduce_max3A [1] : vector<8x256x128xf32> to vector<8x128xf32>
    %gt3A = arith.cmpf ogt, %reduce_max3A_33, %broadcast_in_dim3A_23 : vector<8x128xf32>
    %select_n3A = arith.select %gt3A, %reduce_max3A_33, %broadcast_in_dim3A_23 : vector<8x128xi1>, vector<8x128xf32>
    %broadcast_in_dim3A_34 = arith.constant 0 : i32
    %broadcast_in_dim3A_35 = vector.broadcast %broadcast_in_dim3A_34 : i32 to vector<8x128xi32>
    %select_n3A_36 = arith.select %gt3A, %broadcast_in_dim3A_35, %broadcast_in_dim3A_25 : vector<8x128xi1>, vector<8x128xi32>
    %get3A_37 = arith.constant 8 : index
    %get3A_38 = arith.constant 0 : index
    %get3A_39 = vector.load %arg3[%get3A_37, %get3A_38] : memref<96x32768xf32, #tpu.memory_space<vmem>>, vector<8x32768xf32>
    %reshape3A_40 = vector.shape_cast %get3A_39 : vector<8x32768xf32> to vector<8x256x128xf32>
    %reduce_max3A_41 = arith.constant dense<0xFF800000> : vector<8x128xf32>
    %reduce_max3A_42 = vector.multi_reduction <maximumf>, %reshape3A_40, %reduce_max3A_41 [1] : vector<8x256x128xf32> to vector<8x128xf32>
    %gt3A_43 = arith.cmpf ogt, %reduce_max3A_42, %select_n3A : vector<8x128xf32>
    %select_n3A_44 = arith.select %gt3A_43, %reduce_max3A_42, %select_n3A : vector<8x128xi1>, vector<8x128xf32>
    %broadcast_in_dim3A_45 = arith.constant 1 : i32
    %broadcast_in_dim3A_46 = vector.broadcast %broadcast_in_dim3A_45 : i32 to vector<8x128xi32>
    %select_n3A_47 = arith.select %gt3A_43, %broadcast_in_dim3A_46, %select_n3A_36 : vector<8x128xi1>, vector<8x128xi32>
    %get3A_48 = arith.constant 16 : index
    %get3A_49 = arith.constant 0 : index
    %get3A_50 = vector.load %arg3[%get3A_48, %get3A_49] : memref<96x32768xf32, #tpu.memory_space<vmem>>, vector<8x32768xf32>
    %reshape3A_51 = vector.shape_cast %get3A_50 : vector<8x32768xf32> to vector<8x256x128xf32>
    %reduce_max3A_52 = arith.constant dense<0xFF800000> : vector<8x128xf32>
    %reduce_max3A_53 = vector.multi_reduction <maximumf>, %reshape3A_51, %reduce_max3A_52 [1] : vector<8x256x128xf32> to vector<8x128xf32>
    %gt3A_54 = arith.cmpf ogt, %reduce_max3A_53, %select_n3A_44 : vector<8x128xf32>
    %select_n3A_55 = arith.select %gt3A_54, %reduce_max3A_53, %select_n3A_44 : vector<8x128xi1>, vector<8x128xf32>
    %broadcast_in_dim3A_56 = arith.constant 2 : i32
    %broadcast_in_dim3A_57 = vector.broadcast %broadcast_in_dim3A_56 : i32 to vector<8x128xi32>
    %select_n3A_58 = arith.select %gt3A_54, %broadcast_in_dim3A_57, %select_n3A_47 : vector<8x128xi1>, vector<8x128xi32>
    %dma_wait3A_59 = arith.constant 24 : i32
    %dma_wait3A_60 = arith.constant 0 : i32
    %dma_wait3A_61 = tpu.memref_slice %arg3[%dma_wait3A_59, %dma_wait3A_60] : memref<96x32768xf32, #tpu.memory_space<vmem>> -> memref<24x32768xf32, #tpu.memory_space<vmem>>
    %dma_wait3A_62 = arith.constant 56 : i32
    %dma_wait3A_63 = arith.constant 0 : i32
    %dma_wait3A_64 = tpu.memref_slice %arg0[%dma_wait3A_62, %dma_wait3A_63] : memref<128x32768xf32, #tpu.memory_space<any>> -> memref<24x32768xf32, #tpu.memory_space<any>>
    tpu.wait_dma2 semaphore(%arg5 : memref<!tpu.dma_semaphore, #tpu.memory_space<semaphore_mem>>) src(%dma_wait3A_64 : memref<24x32768xf32, #tpu.memory_space<any>>) dst(%dma_wait3A_61 : memref<24x32768xf32, #tpu.memory_space<vmem>>)
    %get3A_65 = arith.constant 24 : index
    %get3A_66 = arith.constant 0 : index
    %get3A_67 = vector.load %arg3[%get3A_65, %get3A_66] : memref<96x32768xf32, #tpu.memory_space<vmem>>, vector<8x32768xf32>
    %reshape3A_68 = vector.shape_cast %get3A_67 : vector<8x32768xf32> to vector<8x256x128xf32>
    %reduce_max3A_69 = arith.constant dense<0xFF800000> : vector<8x128xf32>
    %reduce_max3A_70 = vector.multi_reduction <maximumf>, %reshape3A_68, %reduce_max3A_69 [1] : vector<8x256x128xf32> to vector<8x128xf32>
    %gt3A_71 = arith.cmpf ogt, %reduce_max3A_70, %select_n3A_55 : vector<8x128xf32>
    %select_n3A_72 = arith.select %gt3A_71, %reduce_max3A_70, %select_n3A_55 : vector<8x128xi1>, vector<8x128xf32>
    %broadcast_in_dim3A_73 = arith.constant 3 : i32
    %broadcast_in_dim3A_74 = vector.broadcast %broadcast_in_dim3A_73 : i32 to vector<8x128xi32>
    %select_n3A_75 = arith.select %gt3A_71, %broadcast_in_dim3A_74, %select_n3A_58 : vector<8x128xi1>, vector<8x128xi32>
    %get3A_76 = arith.constant 32 : index
    %get3A_77 = arith.constant 0 : index
    %get3A_78 = vector.load %arg3[%get3A_76, %get3A_77] : memref<96x32768xf32, #tpu.memory_space<vmem>>, vector<8x32768xf32>
    %reshape3A_79 = vector.shape_cast %get3A_78 : vector<8x32768xf32> to vector<8x256x128xf32>
    %reduce_max3A_80 = arith.constant dense<0xFF800000> : vector<8x128xf32>
    %reduce_max3A_81 = vector.multi_reduction <maximumf>, %reshape3A_79, %reduce_max3A_80 [1] : vector<8x256x128xf32> to vector<8x128xf32>
    %gt3A_82 = arith.cmpf ogt, %reduce_max3A_81, %select_n3A_72 : vector<8x128xf32>
    %select_n3A_83 = arith.select %gt3A_82, %reduce_max3A_81, %select_n3A_72 : vector<8x128xi1>, vector<8x128xf32>
    %broadcast_in_dim3A_84 = arith.constant 4 : i32
    %broadcast_in_dim3A_85 = vector.broadcast %broadcast_in_dim3A_84 : i32 to vector<8x128xi32>
    %select_n3A_86 = arith.select %gt3A_82, %broadcast_in_dim3A_85, %select_n3A_75 : vector<8x128xi1>, vector<8x128xi32>
    %get3A_87 = arith.constant 40 : index
    %get3A_88 = arith.constant 0 : index
    %get3A_89 = vector.load %arg3[%get3A_87, %get3A_88] : memref<96x32768xf32, #tpu.memory_space<vmem>>, vector<8x32768xf32>
    %reshape3A_90 = vector.shape_cast %get3A_89 : vector<8x32768xf32> to vector<8x256x128xf32>
    %reduce_max3A_91 = arith.constant dense<0xFF800000> : vector<8x128xf32>
    %reduce_max3A_92 = vector.multi_reduction <maximumf>, %reshape3A_90, %reduce_max3A_91 [1] : vector<8x256x128xf32> to vector<8x128xf32>
    %gt3A_93 = arith.cmpf ogt, %reduce_max3A_92, %select_n3A_83 : vector<8x128xf32>
    %select_n3A_94 = arith.select %gt3A_93, %reduce_max3A_92, %select_n3A_83 : vector<8x128xi1>, vector<8x128xf32>
    %broadcast_in_dim3A_95 = arith.constant 5 : i32
    %broadcast_in_dim3A_96 = vector.broadcast %broadcast_in_dim3A_95 : i32 to vector<8x128xi32>
    %select_n3A_97 = arith.select %gt3A_93, %broadcast_in_dim3A_96, %select_n3A_86 : vector<8x128xi1>, vector<8x128xi32>
    %dma_wait3A_98 = arith.constant 48 : i32
    %dma_wait3A_99 = arith.constant 0 : i32
    %dma_wait3A_100 = tpu.memref_slice %arg3[%dma_wait3A_98, %dma_wait3A_99] : memref<96x32768xf32, #tpu.memory_space<vmem>> -> memref<24x32768xf32, #tpu.memory_space<vmem>>
    %dma_wait3A_101 = arith.constant 80 : i32
    %dma_wait3A_102 = arith.constant 0 : i32
    %dma_wait3A_103 = tpu.memref_slice %arg0[%dma_wait3A_101, %dma_wait3A_102] : memref<128x32768xf32, #tpu.memory_space<any>> -> memref<24x32768xf32, #tpu.memory_space<any>>
    tpu.wait_dma2 semaphore(%arg6 : memref<!tpu.dma_semaphore, #tpu.memory_space<semaphore_mem>>) src(%dma_wait3A_103 : memref<24x32768xf32, #tpu.memory_space<any>>) dst(%dma_wait3A_100 : memref<24x32768xf32, #tpu.memory_space<vmem>>)
    %get3A_104 = arith.constant 48 : index
    %get3A_105 = arith.constant 0 : index
    %get3A_106 = vector.load %arg3[%get3A_104, %get3A_105] : memref<96x32768xf32, #tpu.memory_space<vmem>>, vector<8x32768xf32>
    %reshape3A_107 = vector.shape_cast %get3A_106 : vector<8x32768xf32> to vector<8x256x128xf32>
    %reduce_max3A_108 = arith.constant dense<0xFF800000> : vector<8x128xf32>
    %reduce_max3A_109 = vector.multi_reduction <maximumf>, %reshape3A_107, %reduce_max3A_108 [1] : vector<8x256x128xf32> to vector<8x128xf32>
    %gt3A_110 = arith.cmpf ogt, %reduce_max3A_109, %select_n3A_94 : vector<8x128xf32>
    %select_n3A_111 = arith.select %gt3A_110, %reduce_max3A_109, %select_n3A_94 : vector<8x128xi1>, vector<8x128xf32>
    %broadcast_in_dim3A_112 = arith.constant 6 : i32
    %broadcast_in_dim3A_113 = vector.broadcast %broadcast_in_dim3A_112 : i32 to vector<8x128xi32>
    %select_n3A_114 = arith.select %gt3A_110, %broadcast_in_dim3A_113, %select_n3A_97 : vector<8x128xi1>, vector<8x128xi32>
    %get3A_115 = arith.constant 56 : index
    %get3A_116 = arith.constant 0 : index
    %get3A_117 = vector.load %arg3[%get3A_115, %get3A_116] : memref<96x32768xf32, #tpu.memory_space<vmem>>, vector<8x32768xf32>
    %reshape3A_118 = vector.shape_cast %get3A_117 : vector<8x32768xf32> to vector<8x256x128xf32>
    %reduce_max3A_119 = arith.constant dense<0xFF800000> : vector<8x128xf32>
    %reduce_max3A_120 = vector.multi_reduction <maximumf>, %reshape3A_118, %reduce_max3A_119 [1] : vector<8x256x128xf32> to vector<8x128xf32>
    %gt3A_121 = arith.cmpf ogt, %reduce_max3A_120, %select_n3A_111 : vector<8x128xf32>
    %select_n3A_122 = arith.select %gt3A_121, %reduce_max3A_120, %select_n3A_111 : vector<8x128xi1>, vector<8x128xf32>
    %broadcast_in_dim3A_123 = arith.constant 7 : i32
    %broadcast_in_dim3A_124 = vector.broadcast %broadcast_in_dim3A_123 : i32 to vector<8x128xi32>
    %select_n3A_125 = arith.select %gt3A_121, %broadcast_in_dim3A_124, %select_n3A_114 : vector<8x128xi1>, vector<8x128xi32>
    %get3A_126 = arith.constant 64 : index
    %get3A_127 = arith.constant 0 : index
    %get3A_128 = vector.load %arg3[%get3A_126, %get3A_127] : memref<96x32768xf32, #tpu.memory_space<vmem>>, vector<8x32768xf32>
    %reshape3A_129 = vector.shape_cast %get3A_128 : vector<8x32768xf32> to vector<8x256x128xf32>
    %reduce_max3A_130 = arith.constant dense<0xFF800000> : vector<8x128xf32>
    %reduce_max3A_131 = vector.multi_reduction <maximumf>, %reshape3A_129, %reduce_max3A_130 [1] : vector<8x256x128xf32> to vector<8x128xf32>
    %gt3A_132 = arith.cmpf ogt, %reduce_max3A_131, %select_n3A_122 : vector<8x128xf32>
    %select_n3A_133 = arith.select %gt3A_132, %reduce_max3A_131, %select_n3A_122 : vector<8x128xi1>, vector<8x128xf32>
    %broadcast_in_dim3A_134 = arith.constant 8 : i32
    %broadcast_in_dim3A_135 = vector.broadcast %broadcast_in_dim3A_134 : i32 to vector<8x128xi32>
    %select_n3A_136 = arith.select %gt3A_132, %broadcast_in_dim3A_135, %select_n3A_125 : vector<8x128xi1>, vector<8x128xi32>
    %dma_wait3A_137 = arith.constant 72 : i32
    %dma_wait3A_138 = arith.constant 0 : i32
    %dma_wait3A_139 = tpu.memref_slice %arg3[%dma_wait3A_137, %dma_wait3A_138] : memref<96x32768xf32, #tpu.memory_space<vmem>> -> memref<24x32768xf32, #tpu.memory_space<vmem>>
    %dma_wait3A_140 = arith.constant 104 : i32
    %dma_wait3A_141 = arith.constant 0 : i32
    %dma_wait3A_142 = tpu.memref_slice %arg0[%dma_wait3A_140, %dma_wait3A_141] : memref<128x32768xf32, #tpu.memory_space<any>> -> memref<24x32768xf32, #tpu.memory_space<any>>
    tpu.wait_dma2 semaphore(%arg7 : memref<!tpu.dma_semaphore, #tpu.memory_space<semaphore_mem>>) src(%dma_wait3A_142 : memref<24x32768xf32, #tpu.memory_space<any>>) dst(%dma_wait3A_139 : memref<24x32768xf32, #tpu.memory_space<vmem>>)
    %get3A_143 = arith.constant 72 : index
    %get3A_144 = arith.constant 0 : index
    %get3A_145 = vector.load %arg3[%get3A_143, %get3A_144] : memref<96x32768xf32, #tpu.memory_space<vmem>>, vector<8x32768xf32>
    %reshape3A_146 = vector.shape_cast %get3A_145 : vector<8x32768xf32> to vector<8x256x128xf32>
    %reduce_max3A_147 = arith.constant dense<0xFF800000> : vector<8x128xf32>
    %reduce_max3A_148 = vector.multi_reduction <maximumf>, %reshape3A_146, %reduce_max3A_147 [1] : vector<8x256x128xf32> to vector<8x128xf32>
    %gt3A_149 = arith.cmpf ogt, %reduce_max3A_148, %select_n3A_133 : vector<8x128xf32>
    %select_n3A_150 = arith.select %gt3A_149, %reduce_max3A_148, %select_n3A_133 : vector<8x128xi1>, vector<8x128xf32>
    %broadcast_in_dim3A_151 = arith.constant 9 : i32
    %broadcast_in_dim3A_152 = vector.broadcast %broadcast_in_dim3A_151 : i32 to vector<8x128xi32>
    %select_n3A_153 = arith.select %gt3A_149, %broadcast_in_dim3A_152, %select_n3A_136 : vector<8x128xi1>, vector<8x128xi32>
    %get3A_154 = arith.constant 80 : index
    %get3A_155 = arith.constant 0 : index
    %get3A_156 = vector.load %arg3[%get3A_154, %get3A_155] : memref<96x32768xf32, #tpu.memory_space<vmem>>, vector<8x32768xf32>
    %reshape3A_157 = vector.shape_cast %get3A_156 : vector<8x32768xf32> to vector<8x256x128xf32>
    %reduce_max3A_158 = arith.constant dense<0xFF800000> : vector<8x128xf32>
    %reduce_max3A_159 = vector.multi_reduction <maximumf>, %reshape3A_157, %reduce_max3A_158 [1] : vector<8x256x128xf32> to vector<8x128xf32>
    %gt3A_160 = arith.cmpf ogt, %reduce_max3A_159, %select_n3A_150 : vector<8x128xf32>
    %select_n3A_161 = arith.select %gt3A_160, %reduce_max3A_159, %select_n3A_150 : vector<8x128xi1>, vector<8x128xf32>
    %broadcast_in_dim3A_162 = arith.constant 10 : i32
    %broadcast_in_dim3A_163 = vector.broadcast %broadcast_in_dim3A_162 : i32 to vector<8x128xi32>
    %select_n3A_164 = arith.select %gt3A_160, %broadcast_in_dim3A_163, %select_n3A_153 : vector<8x128xi1>, vector<8x128xi32>
    %get3A_165 = arith.constant 88 : index
    %get3A_166 = arith.constant 0 : index
    %get3A_167 = vector.load %arg3[%get3A_165, %get3A_166] : memref<96x32768xf32, #tpu.memory_space<vmem>>, vector<8x32768xf32>
    %reshape3A_168 = vector.shape_cast %get3A_167 : vector<8x32768xf32> to vector<8x256x128xf32>
    %reduce_max3A_169 = arith.constant dense<0xFF800000> : vector<8x128xf32>
    %reduce_max3A_170 = vector.multi_reduction <maximumf>, %reshape3A_168, %reduce_max3A_169 [1] : vector<8x256x128xf32> to vector<8x128xf32>
    %gt3A_171 = arith.cmpf ogt, %reduce_max3A_170, %select_n3A_161 : vector<8x128xf32>
    %select_n3A_172 = arith.select %gt3A_171, %reduce_max3A_170, %select_n3A_161 : vector<8x128xi1>, vector<8x128xf32>
    %broadcast_in_dim3A_173 = arith.constant 11 : i32
    %broadcast_in_dim3A_174 = vector.broadcast %broadcast_in_dim3A_173 : i32 to vector<8x128xi32>
    %select_n3A_175 = arith.select %gt3A_171, %broadcast_in_dim3A_174, %select_n3A_164 : vector<8x128xi1>, vector<8x128xi32>
    %reduce_max3A_176 = vector.shape_cast %select_n3A_172 : vector<8x128xf32> to vector<1x8x128xf32>
    %reduce_max3A_177 = arith.constant dense<0xFF800000> : vector<1xf32>
    %reduce_max3A_178 = vector.multi_reduction <maximumf>, %reduce_max3A_176, %reduce_max3A_177 [1, 2] : vector<1x8x128xf32> to vector<1xf32>
    %reduce_max3A_179 = vector.shape_cast %reduce_max3A_178 : vector<1xf32> to vector<1x1x1xf32>
    %reduce_max3A_180 = vector.extract %reduce_max3A_179[0, 0, 0] : f32 from vector<1x1x1xf32>
    %iota3A = tpu.iota {dimensions = array<i32: 0>} : vector<8x128xi32>
    %mul3A = arith.constant 8 : i32
    %mul3A_181 = vector.broadcast %mul3A : i32 to vector<8x128xi32>
    %mul3A_182 = arith.muli %select_n3A_175, %mul3A_181 : vector<8x128xi32>
    %add3A = arith.constant 32 : i32
    %add3A_183 = vector.broadcast %add3A : i32 to vector<8x128xi32>
    %add3A_184 = arith.addi %add3A_183, %mul3A_182 : vector<8x128xi32>
    %add3A_185 = arith.addi %add3A_184, %iota3A : vector<8x128xi32>
    %eq3A = vector.broadcast %reduce_max3A_180 : f32 to vector<8x128xf32>
    %eq3A_186 = arith.cmpf oeq, %select_n3A_172, %eq3A : vector<8x128xf32>
    %jit3A = arith.constant 2147483647 : i32
    %broadcast_in_dim3A_187 = vector.broadcast %jit3A : i32 to vector<8x128xi32>
    %select_n3A_188 = arith.select %eq3A_186, %add3A_185, %broadcast_in_dim3A_187 : vector<8x128xi1>, vector<8x128xi32>
    %reduce_min3A = vector.shape_cast %select_n3A_188 : vector<8x128xi32> to vector<1x8x128xi32>
    %reduce_min3A_189 = arith.constant dense<2147483647> : vector<1xi32>
    %reduce_min3A_190 = vector.multi_reduction <minsi>, %reduce_min3A, %reduce_min3A_189 [1, 2] : vector<1x8x128xi32> to vector<1xi32>
    %reduce_min3A_191 = vector.shape_cast %reduce_min3A_190 : vector<1xi32> to vector<1x1x1xi32>
    %reduce_min3A_192 = vector.extract %reduce_min3A_191[0, 0, 0] : i32 from vector<1x1x1xi32>
    %sub3A = arith.constant 32 : i32
    %sub3A_193 = arith.subi %reduce_min3A_192, %sub3A : i32
    %get3A_194 = arith.index_cast %sub3A_193 : i32 to index
    %get3A_195 = arith.constant 0 : index
    %get3A_196 = vector.load %arg3[%get3A_194, %get3A_195] : memref<96x32768xf32, #tpu.memory_space<vmem>>, vector<1x32768xf32>
    %reshape3A_197 = vector.shape_cast %get3A_196 : vector<1x32768xf32> to vector<1x256x128xf32>
    %iota3A_198 = tpu.iota {dimensions = array<i32: 1>} : vector<1x256x128xi32>
    %iota3A_199 = tpu.iota {dimensions = array<i32: 2>} : vector<1x256x128xi32>
    %eq3A_200 = vector.broadcast %reduce_max3A_180 : f32 to vector<1x256x128xf32>
    %eq3A_201 = arith.cmpf oeq, %reshape3A_197, %eq3A_200 : vector<1x256x128xf32>
    %mul3A_202 = arith.constant 128 : i32
    %mul3A_203 = vector.broadcast %mul3A_202 : i32 to vector<1x256x128xi32>
    %mul3A_204 = arith.muli %iota3A_198, %mul3A_203 : vector<1x256x128xi32>
    %add3A_205 = arith.addi %mul3A_204, %iota3A_199 : vector<1x256x128xi32>
    %jit3A_206 = arith.constant 2147483647 : i32
    %broadcast_in_dim3A_207 = vector.broadcast %jit3A_206 : i32 to vector<1x256x128xi32>
    %select_n3A_208 = arith.select %eq3A_201, %add3A_205, %broadcast_in_dim3A_207 : vector<1x256x128xi1>, vector<1x256x128xi32>
    %reduce_min3A_209 = vector.shape_cast %select_n3A_208 : vector<1x256x128xi32> to vector<1x1x256x128xi32>
    %reduce_min3A_210 = arith.constant dense<2147483647> : vector<1xi32>
    %reduce_min3A_211 = vector.multi_reduction <minsi>, %reduce_min3A_209, %reduce_min3A_210 [1, 2, 3] : vector<1x1x256x128xi32> to vector<1xi32>
    %reduce_min3A_212 = vector.shape_cast %reduce_min3A_211 : vector<1xi32> to vector<1x1x1x1xi32>
    %reduce_min3A_213 = vector.extract %reduce_min3A_212[0, 0, 0, 0] : i32 from vector<1x1x1x1xi32>
    %mul3A_214 = arith.constant 32768 : i32
    %mul3A_215 = arith.muli %reduce_min3A_192, %mul3A_214 : i32
    %add3A_216 = arith.addi %mul3A_215, %reduce_min3A_213 : i32
    %swap3A = arith.constant 0 : index
    %swap3A_217 = arith.constant 0 : index
    %swap3A_218 = memref.load %arg1[%swap3A, %swap3A_217] : memref<1x1xf32, #tpu.memory_space<smem>>
    memref.store %reduce_max3A_180, %arg1[%swap3A, %swap3A_217] : memref<1x1xf32, #tpu.memory_space<smem>>
    %swap3A_219 = arith.constant 0 : index
    %swap3A_220 = arith.constant 0 : index
    %swap3A_221 = memref.load %arg2[%swap3A_219, %swap3A_220] : memref<1x1xi32, #tpu.memory_space<smem>>
    memref.store %add3A_216, %arg2[%swap3A_219, %swap3A_220] : memref<1x1xi32, #tpu.memory_space<smem>>
    return
  }
}

module attributes {stable_mosaic.version = 14 : i64} {
  func.func @_merge_body(%arg0: memref<32x16xf32, #tpu.memory_space<any>>, %arg1: memref<32x16xi32, #tpu.memory_space<any>>, %arg2: memref<1x1xf32, #tpu.memory_space<smem>>, %arg3: memref<1x1xi32, #tpu.memory_space<smem>>, %arg4: memref<1x1xi32, #tpu.memory_space<smem>>, %arg5: memref<32x16xf32, #tpu.memory_space<vmem>>, %arg6: memref<32x16xi32, #tpu.memory_space<vmem>>, %arg7: memref<!tpu.dma_semaphore, #tpu.memory_space<semaphore_mem>>, %arg8: memref<!tpu.dma_semaphore, #tpu.memory_space<semaphore_mem>>) attributes {dimension_semantics = [], scalar_prefetch = 0 : i64, scratch_operands = 4 : i64, tpu.core_type = #tpu.core_type<tc>} {
    tpu.enqueue_dma source(%arg0 : memref<32x16xf32, #tpu.memory_space<any>>) target(%arg5 : memref<32x16xf32, #tpu.memory_space<vmem>>) target_semaphore(%arg7 : memref<!tpu.dma_semaphore, #tpu.memory_space<semaphore_mem>>)
    tpu.enqueue_dma source(%arg1 : memref<32x16xi32, #tpu.memory_space<any>>) target(%arg6 : memref<32x16xi32, #tpu.memory_space<vmem>>) target_semaphore(%arg8 : memref<!tpu.dma_semaphore, #tpu.memory_space<semaphore_mem>>)
    tpu.wait_dma2 semaphore(%arg7 : memref<!tpu.dma_semaphore, #tpu.memory_space<semaphore_mem>>) src(%arg0 : memref<32x16xf32, #tpu.memory_space<any>>) dst(%arg5 : memref<32x16xf32, #tpu.memory_space<vmem>>)
    tpu.wait_dma2 semaphore(%arg8 : memref<!tpu.dma_semaphore, #tpu.memory_space<semaphore_mem>>) src(%arg1 : memref<32x16xi32, #tpu.memory_space<any>>) dst(%arg6 : memref<32x16xi32, #tpu.memory_space<vmem>>)
    %get3A = arith.constant 0 : index
    %get3A_0 = arith.constant 0 : index
    %get3A_1 = vector.load %arg5[%get3A, %get3A_0] : memref<32x16xf32, #tpu.memory_space<vmem>>, vector<32x16xf32>
    %reduce_max3A = vector.shape_cast %get3A_1 : vector<32x16xf32> to vector<1x32x16xf32>
    %reduce_max3A_2 = arith.constant dense<0xFF800000> : vector<1xf32>
    %reduce_max3A_3 = vector.multi_reduction <maximumf>, %reduce_max3A, %reduce_max3A_2 [1, 2] : vector<1x32x16xf32> to vector<1xf32>
    %reduce_max3A_4 = vector.shape_cast %reduce_max3A_3 : vector<1xf32> to vector<1x1x1xf32>
    %reduce_max3A_5 = vector.extract %reduce_max3A_4[0, 0, 0] : f32 from vector<1x1x1xf32>
    %eq3A = vector.broadcast %reduce_max3A_5 : f32 to vector<32x16xf32>
    %eq3A_6 = arith.cmpf oeq, %get3A_1, %eq3A : vector<32x16xf32>
    %get3A_7 = arith.constant 0 : index
    %get3A_8 = arith.constant 0 : index
    %get3A_9 = vector.load %arg6[%get3A_7, %get3A_8] : memref<32x16xi32, #tpu.memory_space<vmem>>, vector<32x16xi32>
    %jit3A = arith.constant 2147483647 : i32
    %broadcast_in_dim3A = vector.broadcast %jit3A : i32 to vector<32x16xi32>
    %select_n3A = arith.select %eq3A_6, %get3A_9, %broadcast_in_dim3A : vector<32x16xi1>, vector<32x16xi32>
    %reduce_min3A = vector.shape_cast %select_n3A : vector<32x16xi32> to vector<1x32x16xi32>
    %reduce_min3A_10 = arith.constant dense<2147483647> : vector<1xi32>
    %reduce_min3A_11 = vector.multi_reduction <minsi>, %reduce_min3A, %reduce_min3A_10 [1, 2] : vector<1x32x16xi32> to vector<1xi32>
    %reduce_min3A_12 = vector.shape_cast %reduce_min3A_11 : vector<1xi32> to vector<1x1x1xi32>
    %reduce_min3A_13 = vector.extract %reduce_min3A_12[0, 0, 0] : i32 from vector<1x1x1xi32>
    %get3A_14 = arith.constant 0 : index
    %get3A_15 = arith.constant 0 : index
    %get3A_16 = memref.load %arg2[%get3A_14, %get3A_15] : memref<1x1xf32, #tpu.memory_space<smem>>
    %get3A_17 = arith.constant 0 : index
    %get3A_18 = arith.constant 0 : index
    %get3A_19 = memref.load %arg3[%get3A_17, %get3A_18] : memref<1x1xi32, #tpu.memory_space<smem>>
    %gt3A = arith.cmpf ogt, %get3A_16, %reduce_max3A_5 : f32
    %eq3A_20 = arith.cmpf oeq, %get3A_16, %reduce_max3A_5 : f32
    %lt3A = arith.cmpi slt, %get3A_19, %reduce_min3A_13 : i32
    %and3A = arith.andi %eq3A_20, %lt3A : i1
    %or3A = arith.ori %gt3A, %and3A : i1
    %select_n3A_21 = arith.select %or3A, %get3A_19, %reduce_min3A_13 : i32
    %swap3A = arith.constant 0 : index
    %swap3A_22 = arith.constant 0 : index
    %swap3A_23 = memref.load %arg4[%swap3A, %swap3A_22] : memref<1x1xi32, #tpu.memory_space<smem>>
    memref.store %select_n3A_21, %arg4[%swap3A, %swap3A_22] : memref<1x1xi32, #tpu.memory_space<smem>>
    return
  }
}

</mosaic_0001>

<sc_bundles>
// kernel: kernel.5.cloned.1.call-start
scs
__scs_entry_jumppad:
0x0: {  	(pc) =	sbr.rel $0x88, $3  }
0x1: {  	(tag) =	ssettag $0x0;
	lr =	simm.s32 $0x1  }
0x2: {  	[smem:$0x3FA0] =	sst lr;
	_ =	strace $0xD0000000  }
0x3: {  	_ = 	snop  }
0x4: {  	_ = 	snop  }
0x5: {  	_ = 	snop  }
0x6: {  	_ = 	snop  }
0x7: {  	_ = 	snop  }
__scs_overlays_trampoline_lowered:
0x8: {  	[smem:$0x3FAF] =	sst s0  }
0x9: {  	[smem:$0x3FB0] =	sst s1  }
0xa: {  	[smem:$0x3FB1] =	sst s2  }
0xb: {  	[smem:$0x3FB2] =	sst s3  }
0xc: {  	[smem:$0x3FB3] =	sst s4  }
0xd: {  	[smem:$0x3FB4] =	sst s5  }
0xe: {  	[smem:$0x3FB5] =	sst s6  }
0xf: {  	[smem:$0x3FB6] =	sst s7  }
0x10: {  	[smem:$0x3FB7] =	sst s8  }
0x11: {  	[smem:$0x3FB8] =	sst s9;
	s0 =	simm.s32 @!p0 $0x0  }
0x12: {  	s1 =	sld [smem:$0x3F9E];
	s0 =	simm.s32 @p0 $0x1  }
0x13: {  	[smem:$0x3FB9] =	sst s0;
	s0 =	simm.s32 @!p1 $0x0  }
0x14: {  	s2 =	sld [smem:$0x3F9D];
	s0 =	simm.s32 @p1 $0x1  }
0x15: {  	[smem:$0x3FBA] =	sst s0;
	s0 =	simm.s32 @!p2 $0x0  }
0x16: {  	s3 =	sld [smem:$0x3FDB];
	s0 =	simm.s32 @p2 $0x1  }
0x17: {  	s4 =	simm.s32 $0x1BF5;
	[smem:$0x3FBC] =	sst s0  }
0x18: {  	s0 =	sld [smem:$0x3F9F];
	_ =	swait.ge [sflag:s4], $0x0  }
0x19: {  	s7 =	sld [smem:$0x3FA0]  }
0x1a: {  	s8 =	sadd.s32 $0xFFFFE003, lr  }
0x1b: {  	s9 =	sadd.s32 $0xFFFFFEF7, lr;
	s5 =	simm.s32 $0xFFFFFFFF;
	p2 =	slt.u32 s8, $0xFFFFF086  }
0x1c: {  	p1 =	slt.u32 s9, $0xF7A;
	s5 =	simm.s32 @!p2 $0x0  }
0x1d: {  	s5 =	simm.s32 @p1 $0x1;
	p0 =	seq.s32 s7, s2  }
0x1e: {  	s7 =	smul.u32 @!p0 $0xF7A, s2;
	p2 =	seq.s32 @!p0 s5, $0x0  }
0x1f: {  	s9 =	smul.u32 $0xF7A, s1;
	s8 =	simm.s32 @!p0 $0x1BF5;
	p2 =	por !p2, p0  }
0x20: {  	[sflag:s8] =	ssyncset.s32 @!p0 $0xFFFFF086;
	s6 =	sadd.s32 @!p0 s3, s7;
	s7 =	simm.s32 @!p0 $0x108  }
0x21: {  	s3 =	sadd.s32 s3, s9;
	s6 =	sadd.s32 @!p0 $0x88, s6;
	s7 =	simm.s32 @p2 $0x1082  }
0x22: {  	[simem:s7], [sflag:s8] =	dma.local @!p0 [hbm:s6], $0xF7A  }
0x23: {  	s9 =	sor.u32 $0xD0000000, s2;
	s6 =	simm.s32 $0x108;
	_ =	swait.ge @!p0 [sflag:s8], $0x0  }
0x24: {  	s3 =	sadd.s32 $0x88, s3;
	s6 =	simm.s32 @!p1 $0x1082;
	[sflag:s4] =	ssyncset.s32 $0xFFFFF086  }
0x25: {  	[simem:s6], [sflag:s4] =	dma.local [hbm:s3], $0xF7A  }
0x26: {  	[smem:$0x3FA0] =	sst s1;
	(tag) =	ssettag s2;
	_ =	strace s9  }
0x27: {  	s1 =	sld [smem:$0x3FB0]  }
0x28: {  	s2 =	sld [smem:$0x3FB1]  }
0x29: {  	s4 =	sld [smem:$0x3FB3]  }
0x2a: {  	p0 =	seq.s32 s5, $0x0;
	s5 =	sld [smem:$0x3FB4]  }
0x2b: {  	s6 =	sld [smem:$0x3FB5]  }
0x2c: {  	s7 =	sld [smem:$0x3FB6]  }
0x2d: {  	s3 =	simm.s32 $0x108;
	s8 =	sld [smem:$0x3FB7]  }
0x2e: {  	s3 =	simm.s32 @!p0 $0x1082;
	s9 =	sld [smem:$0x3FB8]  }
0x2f: {  	lr =	sadd.s32 s0, s3;
	s0 =	sld [smem:$0x3FAF]  }
0x30: {  	s3 =	sld [smem:$0x3FB2]  }
0x31: {  	[smem:$0x3FBB] =	sst s10  }
0x32: {  	s10 =	sld [smem:$0x3FB9];
	_ =	sdelay $0x3  }
0x33: {  	p0 =	seq.s32 s10, $0x1;
	s10 =	sld [smem:$0x3FBB];
	_ =	sdelay $0x3  }
0x34: {  	[smem:$0x3FBB] =	sst s10  }
0x35: {  	s10 =	sld [smem:$0x3FBA];
	_ =	sdelay $0x3  }
0x36: {  	p1 =	seq.s32 s10, $0x1;
	s10 =	sld [smem:$0x3FBB];
	_ =	sdelay $0x3  }
0x37: {  	[smem:$0x3FBB] =	sst s10  }
0x38: {  	s10 =	sld [smem:$0x3FBC]  }
0x39: {  	_ = 	snop;
	(pc) =	sbr.ind lr, $3  }
0x3a: {  	_ = 	snop  }
0x3b: {  	_ = 	snop  }
0x3c: {  	p2 =	seq.s32 s10, $0x1;
	s10 =	sld [smem:$0x3FBB]  }
0x3d: {  	_ =	shalt  }
0x3e: {  	_ =	shalt  }
0x3f: {  	_ =	shalt  }
0x40: {  	_ =	shalt  }
0x41: {  	_ =	shalt  }
0x42: {  	_ =	shalt  }
0x43: {  	_ =	shalt  }
0x44: {  	_ =	shalt  }
0x45: {  	_ =	shalt  }
0x46: {  	_ =	shalt  }
0x47: {  	_ =	shalt  }
0x48: {  	_ =	shalt  }
0x49: {  	_ =	shalt  }
0x4a: {  	_ =	shalt  }
0x4b: {  	_ =	shalt  }
0x4c: {  	_ =	shalt  }
0x4d: {  	_ =	shalt  }
0x4e: {  	_ =	shalt  }
0x4f: {  	_ =	shalt  }
0x50: {  	_ =	shalt  }
0x51: {  	_ =	shalt  }
0x52: {  	_ =	shalt  }
0x53: {  	_ =	shalt  }
0x54: {  	_ =	shalt  }
0x55: {  	_ =	shalt  }
0x56: {  	_ =	shalt  }
0x57: {  	_ =	shalt  }
0x58: {  	_ =	shalt  }
0x59: {  	_ =	shalt  }
0x5a: {  	_ =	shalt  }
0x5b: {  	_ =	shalt  }
0x5c: {  	_ =	shalt  }
0x5d: {  	_ =	shalt  }
0x5e: {  	_ =	shalt  }
0x5f: {  	_ =	shalt  }
0x60: {  	_ =	shalt  }
0x61: {  	_ =	shalt  }
0x62: {  	_ =	shalt  }
0x63: {  	_ =	shalt  }
0x64: {  	_ =	shalt  }
0x65: {  	_ =	shalt  }
0x66: {  	_ =	shalt  }
0x67: {  	_ =	shalt  }
0x68: {  	_ =	shalt  }
0x69: {  	_ =	shalt  }
0x6a: {  	_ =	shalt  }
0x6b: {  	_ =	shalt  }
0x6c: {  	_ =	shalt  }
0x6d: {  	_ =	shalt  }
0x6e: {  	_ =	shalt  }
0x6f: {  	_ =	shalt  }
0x70: {  	_ =	shalt  }
0x71: {  	_ =	shalt  }
0x72: {  	_ =	shalt  }
0x73: {  	_ =	shalt  }
0x74: {  	_ =	shalt  }
0x75: {  	_ =	shalt  }
0x76: {  	_ =	shalt  }
0x77: {  	_ =	shalt  }
0x78: {  	_ =	shalt  }
0x79: {  	_ =	shalt  }
0x7a: {  	_ =	shalt  }
0x7b: {  	_ =	shalt  }
0x7c: {  	_ =	shalt  }
0x7d: {  	_ =	shalt  }
0x7e: {  	_ =	shalt  }
0x7f: {  	_ =	shalt  }
0x80: {  	_ =	shalt  }
0x81: {  	_ =	shalt  }
0x82: {  	_ =	shalt  }
0x83: {  	_ =	shalt  }
0x84: {  	_ =	shalt  }
0x85: {  	_ =	shalt  }
0x86: {  	_ =	shalt  }
0x87: {  	_ =	shalt  }
.Lfunc_end0:
.L_simem_size_0:
called_computation_lowered:
.L_overlay_start_0:
0x88: {  	s2 =	sld [smem:$0x3FD9]  }
0x89: {  	s3 =	sld [smem:$0x3FFE];
	_ =	sdelay $0x1  }
0x8a: {  	s1 =	srdreg.scid  }
0x8b: {  	s0 =	sand.u32 $0x1, s1  }
0x8c: {  	s17 =	sshll.u32 s0, $0xA;
	s2 =	sadd.s32 s3, s2  }
0x8d: {  	s2 =	sadd.s32 s2, s17  }
0x8e: {  	[smem:$0x3FC7] =	sst s2  }
0x8f: {  	_ = 	snop  }
0x90: {  	s2 =	sld [smem:$0x3FC9];
	(tm) =	ssettm $0x1  }
0x91: {  	s18 =	sld [smem:$0x3FFB];
	_ =	sdelay $0x3  }
0x92: {  	_ =	strace s18  }
0x93: {  	s3 =	sld [smem:$0x3FFC];
	_ =	sdelay $0x3  }
0x94: {  	_ =	strace s3  }
0x95: {  	s3 =	sld [smem:$0x3FFD];
	_ =	sdelay $0x3  }
0x96: {  	_ =	strace s3  }
0x97: {  	_ =	strace $0x8FFFFFFF  }
0x98: {  	s19 =	sld [smem:$0x3FDB];
	_ =	sdelay $0x1  }
0x99: {  	s4 =	simm.s32 $_scs_section_size  }
0x9a: {  	s5 =	simm.s32 $_size__tile_overlayer_lowered;
	s6 =	simm.s32 $_tile_overlayer_lowered  }
0x9b: {  	s22 =	simm.s32 $0x1BFF;
	s21 =	sshll.u32 s6, $0x1;
	s3 =	sadd.s32 s4, s19  }
0x9c: {  	s7 =	simm.s32 $0x0;
	s20 =	sshll.u32 s5, $0x1;
	s5 =	sadd.s32 s21, s3  }
0x9d: {  	[timem:s7], [sflag:s22] =	dma.local [hbm:s5], s20  }
0x9e: {  	_ =	swait.ge [sflag:s22], s20  }
0x9f: {  	s4 =	ssub.s32 $0x0, s20;
	[sflag:s22] =	ssyncset.done $0x0  }
0xa0: {  	[sflag:s22] =	ssyncadd.s32 s4;
	_ =	sdelay $0x1  }
0xa1: {  	s23 =	simm.s32 $0x1B8B  }
0xa2: {  	_ =	swait.ge [sflag:s23], $0x1  }
0xa3: {  	[sflag:s23] =	ssyncset.done $0x0  }
0xa4: {  	s25 =	simm.s32 $0x1B8E;
	s24 =	sld [smem:$0x3FFE];
	[sflag:s23] =	ssyncadd.s32 $0xFFFFFFFF  }
0xa5: {  	s26 =	simm.s32 $execute0_lowered;
	[smem:$0x3FD2] =	sst s25  }
0xa6: {  	s5 =	sshll.u32 s26, $0x1;
	_ =	strace $0x80000046;
	[dreg:$0x1] =	wrdreg $0xFFFFFFFF  }
0xa7: {  	s28 =	simm.s32 $_size_execute0_lowered;
	s3 =	sadd.s32 s3, s5;
	[dreg:$0x0] =	wrdreg $0x0  }
0xa8: {  	s5 =	sshll.u32 s28, $0x1;
	[dreg:$0x2] =	wrdreg s3  }
0xa9: {  	[dreg:$0x3] =	wrdreg s5  }
0xaa: {  	[dreg:$0x4] =	wrdreg $0xC0  }
0xab: {  	_ =	task [dreg:s7], $0x5FFFF  }
0xac: {  	[dreg:$0x1] =	wrdreg $0xFFFFFFFF  }
0xad: {  	[dreg:$0x0] =	wrdreg $0x60  }
0xae: {  	[dreg:$0x2] =	wrdreg s2  }
0xaf: {  	[dreg:$0x3] =	wrdreg s24  }
0xb0: {  	[dreg:$0x4] =	wrdreg $0x9  }
0xb1: {  	_ =	task.clear_ibuf [dreg:s7], $0x5FFFF;
	_ =	strace $0x90000046  }
0xb2: {  	s29 =	simm.s32 $0x9;
	_ =	strace $0x80000048  }
0xb3: {  	_ =	swait.ge [sflag:s29], $0x1  }
0xb4: {  	[sflag:s29] =	ssyncadd.s32 $0xFFFFFFFF  }
0xb5: {  	_ =	strace $0x90000048  }
0xb6: {  	_ =	sfence  }
0xb7: {  	s30 =	sld [smem:$0x0];
	_ =	sdelay $0x2  }
0xb8: {  	s31 =	sshll.u32 s1, $0xD;
	s1 =	sshrl.u32 s1, $0x2  }
0xb9: {  	s3 =	sand.u32 $0x4000, s31;
	s1 =	sadd.s32 s1, s30  }
0xba: {  	s0 =	sor.u32 s3, s0;
	s1 =	sshll.u32 s1, $0x11  }
0xbb: {  	s0 =	sor.u32 s1, s0  }
0xbc: {  	s0 =	sadd.s32 $0x8F2B, s0  }
0xbd: {  	[sflag:s0] =	ssyncadd.remote.s32 $0x1  }
0xbe: {  	_ =	sfence.sel $0xFFFF  }
0xbf: {  	[dreg:$0x0] =	wrdreg $0xFFFFFFFF;
	(pc) =	sbr.abs _section_cstart, $3  }
0xc0: {  	[dreg:$0x1] =	wrdreg $0xFFFFFFFF  }
0xc1: {  	_ =	task.clear_ibuf [dreg:s7], $0x2FFFF;
	_ =	strace $0x9FFFFFFF  }
0xc2: {  	(tm) =	ssettm $0x7FFFFFFF  }
0xc3: {  	_ =	shalt  }
tec
execute0_lowered:
.L_overlay_start_1:
0x0: {  	(tag) =	ssettag $0x1  }
0x1: {  	s3 =	rddreg [dreg:$0x0]  }
0x2: {  	s4 =	rddreg [dreg:$0x1];
	s2 =	srdreg.scid  }
0x3: {  	s0 =	rddreg [dreg:$0x2];
	s1 =	stileid.u32;
	s11 =	simm.s32 $0x10080  }
0x4: {  	s12 =	simm.s32 $0x0;
	s7 =	sand.u32 $0x1, s2;
	s2 =	simm.s32 $0x0  }
0x5: {  	s5 =	sshll.u32 s1, $0x8;
	s8 =	sshrl.u32 s1, $0x2;
	s31 =	sshll.u32 s1, $0xC  }
0x6: {  	s6 =	sshll.u32 s7, $0x7;
	[smem:$0x7FF] =	sst s2;
	s28 =	sshll.u32 s8, $0xA  }
0x7: {  	s9 =	ssub.s32 $0x2, s7;
	s8 =	sshll.u32 s8, $0x12;
	s7 =	sshll.u32 s7, $0xB  }
0x8: {  	s5 =	sor.u32 s6, s5;
	_ =	strace $0x80000047;
	s10 =	sshrl.u32 s9, $0x1  }
0x9: {  	s7 =	sor.u32 s7, s31;
	s5 =	sand.u32 $0x380, s5;
	s29 =	ssub.s32 s9, s10  }
0xa: {  	v0 =	vlaneseq.u32;
	s9 =	simm.s32 $0x10000;
	s6 =	sor.u32 s28, s5;
	s5 =	sor.u32 s8, s5  }
0xb: {  	v1 =	vor.u32 $0x10, v0;
	s10 =	simm.s32 $0x2;
	s6 =	sshrl.u32 s6, $0x3;
	s30 =	sshrl.u32 s5, $0x3  }
0xc: {  	v2 =	vor.u32 $0x20, v0;
	v3 =	vor.u32 $0x30, v0;
	v4 =	vor.u32 $0x40, v0;
	s8 =	simm.s32 $0x1;
	s6 =	sadd.s32 s6, s4;
	s3 =	sadd.s32 s3, s30  }
0xd: {  	v5 =	vor.u32 $0x50, v0;
	v6 =	vor.u32 $0x60, v0;
	v7 =	vor.u32 $0x70, v0;
	s4 =	sadd.s32 $0x1000, s6;
	s5 =	sadd.s32 $0x1200, s6;
	s6 =	smax.u32 s29, $0x1  }
.LBB2_1:
0xe: {  	s13 =	simm.s32 $0x80  }
0xf: {  	s16 =	sadd.s32 $0x0, s3;
	s14 =	simm.s32 $0x100;
	s15 =	simm.s32 $0x0  }
.LBB2_2:
0x10: {  	[tilespmem:s15], [sflag:$0x1] =	stream.linear.gather [hbm4b:s16+s2], $0x80, $0x38;
	[tilespmem:$0x10100] =	vst v63  }
0x11: {  	s16 =	smov.u32 s13;
	s15 =	smov.u32 s14;
	p0 =	sne.s32 s13, $0x7F80  }
.Ltmp0:
0x12: {  	s13 =	sadd.s32 $0x80, s13;
	(pc) =	sbr.rel @p0 .LBB2_2-.Ltmp0, $2  }
0x13: {  	_ =	sdelay $0x2  }
0x14: {  	s14 =	sadd.s32 $0x100, s14;
	s16 =	sadd.s32 s16, s3  }
0x15: {  	[tilespmem:s15], [sflag:$0x1] =	stream.linear.gather [hbm4b:s16+s2], $0x80, $0x38;
	[tilespmem:$0x10100] =	vst v63  }
0x16: {  	_ =	swait.ge [sflag:s8], $0x8000  }
0x17: {  	[sflag:s8] =	ssyncset.done $0x0  }
0x18: {  	s13 =	simm.s32 $0x40;
	[sflag:s8] =	ssyncadd.s32 $0xFFFF8000  }
0x19: {  	v8 =	vld [tilespmem:s13+$0xFFFFFFE0]  }
0x1a: {  	v9 =	vld [tilespmem:s13+$0x30]  }
0x1b: {  	v11 =	vld [tilespmem:s13+$0x10]  }
0x1c: {  	v21 =	vld [tilespmem:s13+$0xFFFFFFC0]  }
0x1d: {  	v10 =	vld [tilespmem:s13+$0x20]  }
0x1e: {  	v12 =	vld [tilespmem:s13+$0x0]  }
0x1f: {  	v29 =	vimm.f32 $-Inf  }
0x20: {  	v20 =	vimm.s32 $0x0;
	v24 =	vld [tilespmem:s13+$0xFFFFFFF0];
	vm0 =	vgt.f32 v8, v29  }
0x21: {  	s14 =	sadd.s32 $0x0, s7;
	s31 =	simm.s32 $0x140;
	v30 =	vld [tilespmem:s13+$0xFFFFFFD0];
	vm1 =	vgt.f32 v9, v29;
	vm2 =	vgt.f32 v11, v29;
	vm3 =	vgt.f32 v21, v29  }
0x22: {  	v28 =	vld [tilespmem:s31+$0xFFFFFFE0];
	v23 =	vsel vm0, v8, v29;
	v31 =	vsel vm1, v9, v29;
	v32 =	vsel vm1, s14, v20  }
0x23: {  	v33 =	vld [tilespmem:s31+$0x30];
	v19 =	vsel vm0, s14, v20;
	vm0 =	vgt.f32 v10, v29;
	vm1 =	vgt.f32 v12, v29  }
0x24: {  	v13 =	vld [tilespmem:s31+$0x10];
	v15 =	vsel vm2, s14, v20;
	v14 =	vsel vm2, v11, v29;
	v25 =	vsel vm3, v21, v29  }
0x25: {  	v9 =	vld [tilespmem:s31+$0x20];
	vm2 =	vgt.f32 v24, v29;
	v27 =	vsel vm3, s14, v20;
	v8 =	vsel vm0, v10, v29  }
0x26: {  	v18 =	vld [tilespmem:s31+$0x0];
	v16 =	vsel vm1, v12, v29;
	v17 =	vsel vm1, s14, v20;
	v11 =	vsel vm0, s14, v20  }
0x27: {  	v26 =	vld [tilespmem:s31+$0xFFFFFFC0];
	vm1 =	vgt.f32 v30, v29;
	vm0 =	vgt.f32 v28, v23;
	v22 =	vsel vm2, s14, v20  }
0x28: {  	s13 =	sadd.s32 $0x8, s7;
	vm3 =	vgt.f32 v33, v31;
	v24 =	vsel vm2, v24, v29;
	v21 =	vsel vm0, v28, v23;
	v23 =	vld [tilespmem:s31+$0xFFFFFFF0]  }
0x29: {  	s15 =	simm.s32 $0x8;
	s16 =	simm.s32 $0x240;
	v28 =	vld [tilespmem:s31+$0xFFFFFFD0];
	v10 =	vsel vm3, v33, v31;
	v12 =	vsel vm3, s13, v32;
	v29 =	vsel vm1, v30, v29  }
.LBB2_4:
0x2a: {  	s15 =	sadd.s32 $0x8, s15;
	v30 =	vld [tilespmem:s16+$0xFFFFFFE0];
	v19 =	vsel vm0, s13, v19;
	vm0 =	vgt.f32 v9, v8;
	v20 =	vsel vm1, s14, v20;
	s14 =	smov.u32 s13  }
0x2b: {  	vm2 =	vgt.f32 v13, v14;
	v31 =	vld [tilespmem:s16+$0x30];
	p0 =	slt.u32 s15, $0x7F8;
	vm1 =	vgt.f32 v18, v16;
	v8 =	vsel vm0, v9, v8  }
0x2c: {  	v15 =	vsel vm2, s14, v15;
	v9 =	vld [tilespmem:s16+$0x20];
	v16 =	vsel vm1, v18, v16;
	v17 =	vsel vm1, s14, v17  }
.Ltmp1:
0x2d: {  	v14 =	vsel vm2, v13, v14;
	v11 =	vsel vm0, s14, v11;
	vm3 =	vgt.f32 v26, v25;
	v13 =	vld [tilespmem:s16+$0x10];
	(pc) =	sbr.rel @p0 .LBB2_4-.Ltmp1, $4  }
0x2e: {  	v25 =	vsel vm3, v26, v25;
	vm2 =	vgt.f32 v23, v24;
	v18 =	vld [tilespmem:s16+$0x0];
	vm1 =	vgt.f32 v28, v29  }
0x2f: {  	v27 =	vsel vm3, s14, v27;
	v22 =	vsel vm2, s14, v22;
	v26 =	vld [tilespmem:s16+$0xFFFFFFC0];
	vm0 =	vgt.f32 v30, v21  }
0x30: {  	s13 =	sadd.s32 s7, s15;
	v24 =	vsel vm2, v23, v24;
	v21 =	vsel vm0, v30, v21;
	vm3 =	vgt.f32 v31, v10;
	v23 =	vld [tilespmem:s16+$0xFFFFFFF0]  }
0x31: {  	v29 =	vsel vm1, v28, v29;
	v10 =	vsel vm3, v31, v10;
	v12 =	vsel vm3, s13, v12;
	v28 =	vld [tilespmem:s16+$0xFFFFFFD0];
	s16 =	sadd.s32 $0x100, s16  }
0x32: {  	_ =	sdelay $0x3  }
0x33: {  	v20 =	vsel vm1, s14, v20;
	vm11 =	vgt.f32 v26, v25;
	vm2 =	vgt.f32 v28, v29  }
0x34: {  	v27 =	vsel vm11, s13, v27;
	v20 =	vsel vm2, s13, v20  }
0x35: {  	v25 =	vsel vm11, v26, v25;
	v54 =	vshll.u32 v27, $0x4;
	v20 =	vshll.u32 v20, $0x4  }
0x36: {  	v55 =	vsel vm2, v28, v29;
	v26 =	vor.u32 v0, v54;
	v20 =	vadd.s32 v1, v20  }
0x37: {  	vm1 =	veq.f32 v55, v25;
	vm12 =	vlt.s32 v20, v26  }
0x38: {  	v19 =	vsel vm0, s13, v19;
	vm13 =	vgt.f32 v55, v25;
	vm1 =	vmand vm1, vm12  }
0x39: {  	v19 =	vshll.u32 v19, $0x4;
	vm0 =	vmor vm13, vm1  }
0x3a: {  	v19 =	vadd.s32 v2, v19;
	v25 =	vsel vm0, v55, v25;
	v20 =	vsel vm0, v20, v26  }
0x3b: {  	vm14 =	vgt.f32 v23, v24;
	vm15 =	veq.f32 v21, v25;
	vm4 =	vlt.s32 v19, v20  }
0x3c: {  	v22 =	vsel vm14, s13, v22;
	vm5 =	vgt.f32 v21, v25;
	vm1 =	vmand vm15, vm4  }
0x3d: {  	v23 =	vsel vm14, v23, v24;
	v22 =	vshll.u32 v22, $0x4;
	vm6 =	vmor vm5, vm1  }
0x3e: {  	v22 =	vadd.s32 v3, v22;
	v56 =	vsel vm6, v21, v25;
	v19 =	vsel vm6, v19, v20  }
0x3f: {  	vm7 =	vgt.f32 v18, v16;
	vm8 =	veq.f32 v23, v56;
	vm9 =	vlt.s32 v22, v19  }
0x40: {  	v17 =	vsel vm7, s13, v17;
	vm10 =	vgt.f32 v23, v56;
	vm1 =	vmand vm8, vm9  }
0x41: {  	v16 =	vsel vm7, v18, v16;
	v17 =	vshll.u32 v17, $0x4;
	vm11 =	vmor vm10, vm1  }
0x42: {  	v17 =	vadd.s32 v4, v17;
	v57 =	vsel vm11, v23, v56;
	v19 =	vsel vm11, v22, v19  }
0x43: {  	vm12 =	vgt.f32 v13, v14;
	vm13 =	veq.f32 v16, v57;
	vm14 =	vlt.s32 v17, v19  }
0x44: {  	v15 =	vsel vm12, s13, v15;
	vm15 =	vgt.f32 v16, v57;
	vm1 =	vmand vm13, vm14  }
0x45: {  	v13 =	vsel vm12, v13, v14;
	v58 =	vshll.u32 v15, $0x4;
	vm4 =	vmor vm15, vm1  }
0x46: {  	v14 =	vadd.s32 v5, v58;
	v59 =	vsel vm4, v16, v57;
	v60 =	vsel vm4, v17, v19  }
0x47: {  	vm5 =	vgt.f32 v9, v8;
	vm6 =	veq.f32 v13, v59;
	vm7 =	vlt.s32 v14, v60  }
0x48: {  	v11 =	vsel vm5, s13, v11;
	vm8 =	vgt.f32 v13, v59;
	vm1 =	vmand vm6, vm7  }
0x49: {  	v8 =	vsel vm5, v9, v8;
	v61 =	vshll.u32 v11, $0x4;
	vm9 =	vmor vm8, vm1  }
0x4a: {  	v9 =	vadd.s32 v6, v61;
	v62 =	vsel vm9, v13, v59;
	v63 =	vsel vm9, v14, v60  }
0x4b: {  	vm10 =	veq.f32 v8, v62;
	vm11 =	vlt.s32 v9, v63  }
0x4c: {  	vm12 =	vgt.f32 v8, v62;
	vm0 =	vmand vm10, vm11  }
0x4d: {  	v12 =	vshll.u32 v12, $0x4;
	vm0 =	vmor vm12, vm0  }
0x4e: {  	v12 =	vadd.s32 v7, v12;
	v8 =	vsel vm0, v8, v62;
	v9 =	vsel vm0, v9, v63  }
0x4f: {  	vm13 =	veq.f32 v10, v8;
	vm14 =	vlt.s32 v12, v9  }
0x50: {  	vm15 =	vgt.f32 v10, v8;
	vm0 =	vmand vm13, vm14  }
0x51: {  	vm0 =	vmor vm15, vm0  }
0x52: {  	v8 =	vsel vm0, v10, v8  }
0x53: {  	v9 =	vsel vm0, v12, v9;
	[tilespmem:$0x10000] =	vst v8  }
0x54: {  	[tilespmem:$0x10080] =	vst v9  }
0x55: {  	[hbm4b:s4+s2] =	stream.linear.scatter [tilespmem:s9], [sflag:$0x2], $0x80, $0x38;
	[tilespmem:$0x10100] =	vst v63  }
0x56: {  	s12 =	sadd.s32 $0x1, s12;
	_ =	swait.ge [sflag:s10], $0x80  }
0x57: {  	p0 =	sne.s32 s12, s6;
	[sflag:s10] =	ssyncset.done $0x0  }
.Ltmp2:
0x58: {  	[sflag:s10] =	ssyncadd.s32 $0xFFFFFF80;
	(pc) =	sbr.rel @p0 .LBB2_1-.Ltmp2, $4  }
0x59: {  	[hbm4b:s5+s2] =	stream.linear.scatter [tilespmem:s11], [sflag:$0x2], $0x80, $0x38;
	[tilespmem:$0x10100] =	vst v63  }
0x5a: {  	_ =	swait.ge [sflag:s10], $0x80  }
0x5b: {  	[sflag:s10] =	ssyncset.done $0x0  }
0x5c: {  	[sflag:s10] =	ssyncadd.s32 $0xFFFFFF80  }
0x5d: {  	_ =	sfence.sel $0x180000  }
0x5e: {  	[bflag:$0x0] =	sbarrier.arrive $0xFFFF  }
0x5f: {  	p0 =	sne.s32 s1, $0x0;
	_ =	strace $0x90000047  }
0x60: {  	s0 =	sadd.s32 @!p0 $0x100000, s0;
	[bflag:$0x2] =	sbarrier.arrive $0xFFFF  }
0x61: {  	[sflag:s0] =	ssyncadd.tile.s32 @!p0 $0x1;
	_ =	shalt  }
.Lfunc_end2:
_tile_overlayer_lowered:
.L_overlay_start_2:
0x62: {  	(tag) =	ssettag $0x2  }
0x63: {  	s0 =	rddreg [dreg:$0x0];
	s2 =	stileid.u32  }
0x64: {  	s1 =	rddreg [dreg:$0x1];
	p0 =	sne.s32 s2, $0x0  }
0x65: {  	s3 =	rddreg [dreg:$0x2];
	[bflag:$0x3] =	sbarrier.arrive $0xFFFF;
	s2 =	simm.s32 @!p0 $0x1C02  }
0x66: {  	[timem:s3], [sflag:s2] =	dma.local @!p0 [hbm:s0], s1  }
0x67: {  	s0 =	simm.s32 @!p0 $0x2  }
0x68: {  	_ =	swait.ge @!p0 [sflag:s0], s1  }
0x69: {  	s1 =	ssub.s32 @!p0 $0x0, s1;
	[sflag:s0] =	ssyncset.done @!p0 $0x0  }
0x6a: {  	[sflag:s0] =	ssyncadd.s32 @!p0 s1  }
0x6b: {  	[bflag:$0x3] =	sbarrier.arrive $0xFFFF  }
0x6c: {  	_ =	shalt  }

</sc_bundles>
